<compile_context>
chip_gen: v7x
topology: tpu7x:2x2x1
jax: 0.10.2.dev20260603
libtpu: 0.0.44.dev20260713+nightly
codegen_flags: <defaults>
</compile_context>

<pallas_src>
import functools

import jax
import jax.numpy as jnp
from jax import lax
from jax.experimental import pallas as pl
from jax.experimental.pallas import tpu as pltpu
from jax.experimental.pallas import tpu_sc as plsc

_B, _C, _H, _W = 8, 96, 224, 224
_N = 2000

_NUM_WORKERS = 32
_NPAD = 2048
_PTS = _NPAD // _NUM_WORKERS
_LANES = 16
_GCHUNK = 8

_RROWS = 1024
_ROWS = _B * _C * _H
_PLANE = _ROWS * 128


_CPB = 8


def _repack_body(in_ref, a_ref, b_ref):
    x = in_ref[0]
    a_ref[...] = x[:, :, 0:128].reshape(a_ref.shape)
    b_ref[...] = x[:, :, 96:224].reshape(b_ref.shape)


def _repack(input):
    blk = _CPB * _H * 128
    nc = _C // _CPB
    return pl.pallas_call(
        _repack_body,
        grid=(_B * nc,),
        in_specs=[pl.BlockSpec((1, _CPB, _H, _W),
                               lambda i: (i // nc, i % nc, 0, 0))],
        out_specs=[pl.BlockSpec((blk,), lambda i: (i,)),
                   pl.BlockSpec((blk,), lambda i: (i,))],
        out_shape=[jax.ShapeDtypeStruct((_PLANE,), jnp.float32),
                   jax.ShapeDtypeStruct((_PLANE,), jnp.float32)],
    )(input)


def _sc_gather_kernel(pa, pb, ids_hbm, rows_hbm, cols_hbm, out_hbm,
                      ids_v, rows_v, cols_v, idxa_v, idxb_v,
                      ga_v, gb_v, g_v, sem):
    nc = lax.axis_size("c")
    wid = lax.axis_index("s") * nc + lax.axis_index("c")
    base = wid * _PTS

    pltpu.sync_copy(ids_hbm.at[pl.ds(base, _PTS)], ids_v)
    pltpu.sync_copy(rows_hbm.at[pl.ds(base, _PTS)], rows_v)
    pltpu.sync_copy(cols_hbm.at[pl.ds(base, _PTS)], cols_v)

    pbase_a, pbase_b, self_f = [], [], []
    for gr in range(_PTS // _LANES):
        sl = pl.ds(gr * _LANES, _LANES)
        col = cols_v[sl]
        rbase = ids_v[sl] * (_C * _H) + rows_v[sl]
        sel = lax.shift_right_logical(col, 7)
        pbase_a.append(rbase * 128 + jnp.minimum(col, 127))
        pbase_b.append(rbase * 128 + jnp.maximum(col, 96) - 96)
        self_f.append(sel.astype(jnp.float32))

    def build(c, carry):
        coff = c * (_H * 128)
        for gr in range(_PTS // _LANES):
            sl = pl.ds(c * _PTS + gr * _LANES, _LANES)
            idxa_v[sl] = pbase_a[gr] + coff
            idxb_v[sl] = pbase_b[gr] + coff
        return carry

    lax.fori_loop(0, _C, build, 0)

    def gather_chunk(i, carry):
        cb = i * _GCHUNK
        descs = []
        for j in range(_GCHUNK):
            c = cb + j
            descs.append(pltpu.async_copy(
                pa.at[idxa_v.at[pl.ds(c * _PTS, _PTS)]], ga_v.at[c], sem))
            descs.append(pltpu.async_copy(
                pb.at[idxb_v.at[pl.ds(c * _PTS, _PTS)]], gb_v.at[c], sem))
        for d in descs:
            d.wait()
        return carry

    lax.fori_loop(0, _C // _GCHUNK, gather_chunk, 0)

    def select(c, carry):
        for gr in range(_PTS // _LANES):
            sl = pl.ds(gr * _LANES, _LANES)
            s = self_f[gr]
            g_v[c, sl] = ga_v[c, sl] * (1.0 - s) + gb_v[c, sl] * s
        return carry

    lax.fori_loop(0, _C, select, 0)

    pltpu.sync_copy(g_v, out_hbm.at[wid])


@functools.cache
def _sc_gather():
    return pl.kernel(
        _sc_gather_kernel,
        out_type=jax.ShapeDtypeStruct((_NUM_WORKERS, _C, _PTS), jnp.float32),
        mesh=plsc.VectorSubcoreMesh(
            core_axis_name="c", subcore_axis_name="s",
            num_cores=2, num_subcores=16,
        ),
        scratch_types=[
            pltpu.VMEM((_PTS,), jnp.int32),
            pltpu.VMEM((_PTS,), jnp.int32),
            pltpu.VMEM((_PTS,), jnp.int32),
            pltpu.VMEM((_C * _PTS,), jnp.int32),
            pltpu.VMEM((_C * _PTS,), jnp.int32),
            pltpu.VMEM((_C, _PTS), jnp.float32),
            pltpu.VMEM((_C, _PTS), jnp.float32),
            pltpu.VMEM((_C, _PTS), jnp.float32),
            pltpu.SemaphoreType.DMA,
        ],
    )


_WCHUNK = 8


def _bcast_body(g_ref, out_ref):
    g = g_ref[...]
    m = jnp.concatenate([g[i] for i in range(_NUM_WORKERS)], axis=1)
    out_ref[...] = jnp.broadcast_to(m[:, None, :_N], out_ref.shape)


def _tc_broadcast(g):
    return pl.pallas_call(
        _bcast_body,
        grid=(_W // _WCHUNK,),
        in_specs=[pl.BlockSpec((_NUM_WORKERS, _C, _PTS), lambda i: (0, 0, 0))],
        out_specs=pl.BlockSpec((_C, _WCHUNK, _N), lambda i: (0, i, 0)),
        out_shape=jax.ShapeDtypeStruct((_C, _W, _N), jnp.float32),
    )(g)


def kernel(input, image_ids, centers):
    pad = _NPAD - _N
    ids = jnp.pad(image_ids.astype(jnp.int32), (0, pad))
    rows = jnp.pad(centers[:, 0].astype(jnp.int32), (0, pad))
    cols = jnp.pad(centers[:, 1].astype(jnp.int32), (0, pad))
    pa, pb = _repack(input)
    g = _sc_gather()(pa, pb, ids, rows, cols)
    return jnp.transpose(_tc_broadcast(g), (2, 0, 1))

# --- scband reference (transcript-rebuilt; emitter-appended) ---
"""Pipeline reference for scband-sample-point-simple-1357209665542 (READ-ONLY COPY).

The authoritative reference and input builder live on the scoring server;
editing this copy changes nothing except your own understanding.
"""

import jax, jax.numpy as jnp
import numpy as np


def setup_inputs(seed: int = 0) -> dict:
    key = jax.random.key(seed)
    k1, k2, k3 = jax.random.split(key, 3)
    B, C, H, W = 8, 96, 224, 224
    N = 2000
    inp = jax.random.normal(k1, (B, C, H, W), dtype=jnp.float32)
    image_ids = jax.random.randint(k2, (N,), 0, B, dtype=jnp.int32)
    centers = jax.random.randint(k3, (N, 2), 0, H, dtype=jnp.int32)
    return {"input": inp, "image_ids": image_ids, "centers": centers}


def reference(input, image_ids, centers):
    B, C, H, W = input.shape
    rows = image_ids * H + centers[:, 0]
    cols = centers[:, 1]
    reshape_input = jnp.transpose(input, (1, 0, 2, 3)).reshape(1, C, B * H, W)
    gathered = reshape_input[:, :, rows, cols]  # [1, C, N] via advanced indexing on last two dims
    output = jnp.tile(jnp.transpose(gathered, (2, 1, 0)), (1, 1, W))  # [N, C, W]
    return output

if __name__ == "__main__":
    import jax
    _d = setup_inputs()
    print(jax.jit(kernel)(*tuple(_d.values())))

</pallas_src>

<mosaic_0001>
#map = affine_map<(d0, d1) -> (0)>
#map1 = affine_map<(d0, d1) -> (0, 0, 0)>
module attributes {stable_mosaic.version = 14 : i64} {
  func.func @_sc_gather_kernel(%arg0: i32, %arg1: i32, %arg2: memref<22020096xf32, #tpu.memory_space<hbm>>, %arg3: memref<22020096xf32, #tpu.memory_space<hbm>>, %arg4: memref<2048xi32, #tpu.memory_space<hbm>>, %arg5: memref<2048xi32, #tpu.memory_space<hbm>>, %arg6: memref<2048xi32, #tpu.memory_space<hbm>>, %arg7: memref<32x96x64xf32, #tpu.memory_space<hbm>>, %arg8: memref<64xi32, #tpu.memory_space<vmem>>, %arg9: memref<64xi32, #tpu.memory_space<vmem>>, %arg10: memref<64xi32, #tpu.memory_space<vmem>>, %arg11: memref<6144xi32, #tpu.memory_space<vmem>>, %arg12: memref<6144xi32, #tpu.memory_space<vmem>>, %arg13: memref<96x64xf32, #tpu.memory_space<vmem>>, %arg14: memref<96x64xf32, #tpu.memory_space<vmem>>, %arg15: memref<96x64xf32, #tpu.memory_space<vmem>>, %arg16: memref<!tpu.dma_semaphore, #tpu.memory_space<semaphore_mem>>) attributes {dimension_semantics = [#tpu.dimension_semantics<core_parallel>, #tpu.dimension_semantics<subcore_parallel>], iteration_bounds = array<i64: 2, 16>, scalar_prefetch = 0 : i64, scratch_operands = 9 : i64, tpu.core_type = #tpu.core_type<sc_vector_subcore>, window_params = [{transform_indices = #map}, {transform_indices = #map}, {transform_indices = #map}, {transform_indices = #map}, {transform_indices = #map}, {transform_indices = #map1}]} {
    %mul3A = arith.constant 2 : i32
    %mul3A_0 = arith.muli %arg1, %mul3A : i32
    %add3A = arith.addi %mul3A_0, %arg0 : i32
    %mul3A_1 = arith.constant 64 : i32
    %mul3A_2 = arith.muli %add3A, %mul3A_1 : i32
    "tpu.region"() ({
      %run_scoped3A = tpu.sem_alloc : memref<!tpu.dma_semaphore, #tpu.memory_space<semaphore_mem>>
      %dma_start3A = tpu.memref_slice %arg4[%mul3A_2] : memref<2048xi32, #tpu.memory_space<hbm>> -> memref<64xi32, #tpu.memory_space<hbm>>
      %dma_start3A_150 = tpu.memref_slice %arg4[%mul3A_2] : memref<2048xi32, #tpu.memory_space<hbm>> -> memref<64xi32, #tpu.memory_space<hbm>>
      tpu.enqueue_dma source(%dma_start3A_150 : memref<64xi32, #tpu.memory_space<hbm>>) target(%arg8 : memref<64xi32, #tpu.memory_space<vmem>>) target_semaphore(%run_scoped3A : memref<!tpu.dma_semaphore, #tpu.memory_space<semaphore_mem>>)
      %dma_wait3A = tpu.memref_slice %arg4[%mul3A_2] : memref<2048xi32, #tpu.memory_space<hbm>> -> memref<64xi32, #tpu.memory_space<hbm>>
      %dma_wait3A_151 = tpu.memref_slice %arg4[%mul3A_2] : memref<2048xi32, #tpu.memory_space<hbm>> -> memref<64xi32, #tpu.memory_space<hbm>>
      tpu.wait_dma2 semaphore(%run_scoped3A : memref<!tpu.dma_semaphore, #tpu.memory_space<semaphore_mem>>) src(%dma_wait3A_151 : memref<64xi32, #tpu.memory_space<hbm>>) dst(%arg8 : memref<64xi32, #tpu.memory_space<vmem>>)
      tpu.yield
    }) : () -> ()
    "tpu.region"() ({
      %run_scoped3A = tpu.sem_alloc : memref<!tpu.dma_semaphore, #tpu.memory_space<semaphore_mem>>
      %dma_start3A = tpu.memref_slice %arg5[%mul3A_2] : memref<2048xi32, #tpu.memory_space<hbm>> -> memref<64xi32, #tpu.memory_space<hbm>>
      %dma_start3A_150 = tpu.memref_slice %arg5[%mul3A_2] : memref<2048xi32, #tpu.memory_space<hbm>> -> memref<64xi32, #tpu.memory_space<hbm>>
      tpu.enqueue_dma source(%dma_start3A_150 : memref<64xi32, #tpu.memory_space<hbm>>) target(%arg9 : memref<64xi32, #tpu.memory_space<vmem>>) target_semaphore(%run_scoped3A : memref<!tpu.dma_semaphore, #tpu.memory_space<semaphore_mem>>)
      %dma_wait3A = tpu.memref_slice %arg5[%mul3A_2] : memref<2048xi32, #tpu.memory_space<hbm>> -> memref<64xi32, #tpu.memory_space<hbm>>
      %dma_wait3A_151 = tpu.memref_slice %arg5[%mul3A_2] : memref<2048xi32, #tpu.memory_space<hbm>> -> memref<64xi32, #tpu.memory_space<hbm>>
      tpu.wait_dma2 semaphore(%run_scoped3A : memref<!tpu.dma_semaphore, #tpu.memory_space<semaphore_mem>>) src(%dma_wait3A_151 : memref<64xi32, #tpu.memory_space<hbm>>) dst(%arg9 : memref<64xi32, #tpu.memory_space<vmem>>)
      tpu.yield
    }) : () -> ()
    "tpu.region"() ({
      %run_scoped3A = tpu.sem_alloc : memref<!tpu.dma_semaphore, #tpu.memory_space<semaphore_mem>>
      %dma_start3A = tpu.memref_slice %arg6[%mul3A_2] : memref<2048xi32, #tpu.memory_space<hbm>> -> memref<64xi32, #tpu.memory_space<hbm>>
      %dma_start3A_150 = tpu.memref_slice %arg6[%mul3A_2] : memref<2048xi32, #tpu.memory_space<hbm>> -> memref<64xi32, #tpu.memory_space<hbm>>
      tpu.enqueue_dma source(%dma_start3A_150 : memref<64xi32, #tpu.memory_space<hbm>>) target(%arg10 : memref<64xi32, #tpu.memory_space<vmem>>) target_semaphore(%run_scoped3A : memref<!tpu.dma_semaphore, #tpu.memory_space<semaphore_mem>>)
      %dma_wait3A = tpu.memref_slice %arg6[%mul3A_2] : memref<2048xi32, #tpu.memory_space<hbm>> -> memref<64xi32, #tpu.memory_space<hbm>>
      %dma_wait3A_151 = tpu.memref_slice %arg6[%mul3A_2] : memref<2048xi32, #tpu.memory_space<hbm>> -> memref<64xi32, #tpu.memory_space<hbm>>
      tpu.wait_dma2 semaphore(%run_scoped3A : memref<!tpu.dma_semaphore, #tpu.memory_space<semaphore_mem>>) src(%dma_wait3A_151 : memref<64xi32, #tpu.memory_space<hbm>>) dst(%arg10 : memref<64xi32, #tpu.memory_space<vmem>>)
      tpu.yield
    }) : () -> ()
    %get3A = arith.constant 0 : index
    %get3A_3 = tpu.vector_load %arg10[%get3A] {strides = array<i32>} : memref<64xi32, #tpu.memory_space<vmem>>, vector<16xi32>,
    %get3A_4 = vector.shape_cast %get3A_3 : vector<16xi32> to vector<16xi32>
    %get3A_5 = arith.constant 0 : index
    %get3A_6 = tpu.vector_load %arg8[%get3A_5] {strides = array<i32>} : memref<64xi32, #tpu.memory_space<vmem>>, vector<16xi32>,
    %get3A_7 = vector.shape_cast %get3A_6 : vector<16xi32> to vector<16xi32>
    %mul3A_8 = arith.constant 21504 : i32
    %mul3A_9 = vector.broadcast %mul3A_8 : i32 to vector<16xi32>
    %mul3A_10 = arith.muli %get3A_7, %mul3A_9 : vector<16xi32>
    %get3A_11 = arith.constant 0 : index
    %get3A_12 = tpu.vector_load %arg9[%get3A_11] {strides = array<i32>} : memref<64xi32, #tpu.memory_space<vmem>>, vector<16xi32>,
    %get3A_13 = vector.shape_cast %get3A_12 : vector<16xi32> to vector<16xi32>
    %add3A_14 = arith.addi %mul3A_10, %get3A_13 : vector<16xi32>
    %shift_right_logical3A = arith.constant 7 : i32
    %shift_right_logical3A_15 = vector.broadcast %shift_right_logical3A : i32 to vector<16xi32>
    %shift_right_logical3A_16 = arith.shrui %get3A_4, %shift_right_logical3A_15 : vector<16xi32>
    %mul3A_17 = arith.constant 128 : i32
    %mul3A_18 = vector.broadcast %mul3A_17 : i32 to vector<16xi32>
    %mul3A_19 = arith.muli %add3A_14, %mul3A_18 : vector<16xi32>
    %min3A = arith.constant 127 : i32
    %min3A_20 = vector.broadcast %min3A : i32 to vector<16xi32>
    %min3A_21 = arith.minsi %get3A_4, %min3A_20 : vector<16xi32>
    %add3A_22 = arith.addi %mul3A_19, %min3A_21 : vector<16xi32>
    %mul3A_23 = arith.constant 128 : i32
    %mul3A_24 = vector.broadcast %mul3A_23 : i32 to vector<16xi32>
    %mul3A_25 = arith.muli %add3A_14, %mul3A_24 : vector<16xi32>
    %max3A = arith.constant 96 : i32
    %max3A_26 = vector.broadcast %max3A : i32 to vector<16xi32>
    %max3A_27 = arith.maxsi %get3A_4, %max3A_26 : vector<16xi32>
    %add3A_28 = arith.addi %mul3A_25, %max3A_27 : vector<16xi32>
    %sub3A = arith.constant 96 : i32
    %sub3A_29 = vector.broadcast %sub3A : i32 to vector<16xi32>
    %sub3A_30 = arith.subi %add3A_28, %sub3A_29 : vector<16xi32>
    %convert_element_type3A = arith.sitofp %shift_right_logical3A_16 : vector<16xi32> to vector<16xf32>
    %get3A_31 = arith.constant 16 : index
    %get3A_32 = tpu.vector_load %arg10[%get3A_31] {strides = array<i32>} : memref<64xi32, #tpu.memory_space<vmem>>, vector<16xi32>,
    %get3A_33 = vector.shape_cast %get3A_32 : vector<16xi32> to vector<16xi32>
    %get3A_34 = arith.constant 16 : index
    %get3A_35 = tpu.vector_load %arg8[%get3A_34] {strides = array<i32>} : memref<64xi32, #tpu.memory_space<vmem>>, vector<16xi32>,
    %get3A_36 = vector.shape_cast %get3A_35 : vector<16xi32> to vector<16xi32>
    %mul3A_37 = arith.constant 21504 : i32
    %mul3A_38 = vector.broadcast %mul3A_37 : i32 to vector<16xi32>
    %mul3A_39 = arith.muli %get3A_36, %mul3A_38 : vector<16xi32>
    %get3A_40 = arith.constant 16 : index
    %get3A_41 = tpu.vector_load %arg9[%get3A_40] {strides = array<i32>} : memref<64xi32, #tpu.memory_space<vmem>>, vector<16xi32>,
    %get3A_42 = vector.shape_cast %get3A_41 : vector<16xi32> to vector<16xi32>
    %add3A_43 = arith.addi %mul3A_39, %get3A_42 : vector<16xi32>
    %shift_right_logical3A_44 = arith.constant 7 : i32
    %shift_right_logical3A_45 = vector.broadcast %shift_right_logical3A_44 : i32 to vector<16xi32>
    %shift_right_logical3A_46 = arith.shrui %get3A_33, %shift_right_logical3A_45 : vector<16xi32>
    %mul3A_47 = arith.constant 128 : i32
    %mul3A_48 = vector.broadcast %mul3A_47 : i32 to vector<16xi32>
    %mul3A_49 = arith.muli %add3A_43, %mul3A_48 : vector<16xi32>
    %min3A_50 = arith.constant 127 : i32
    %min3A_51 = vector.broadcast %min3A_50 : i32 to vector<16xi32>
    %min3A_52 = arith.minsi %get3A_33, %min3A_51 : vector<16xi32>
    %add3A_53 = arith.addi %mul3A_49, %min3A_52 : vector<16xi32>
    %mul3A_54 = arith.constant 128 : i32
    %mul3A_55 = vector.broadcast %mul3A_54 : i32 to vector<16xi32>
    %mul3A_56 = arith.muli %add3A_43, %mul3A_55 : vector<16xi32>
    %max3A_57 = arith.constant 96 : i32
    %max3A_58 = vector.broadcast %max3A_57 : i32 to vector<16xi32>
    %max3A_59 = arith.maxsi %get3A_33, %max3A_58 : vector<16xi32>
    %add3A_60 = arith.addi %mul3A_56, %max3A_59 : vector<16xi32>
    %sub3A_61 = arith.constant 96 : i32
    %sub3A_62 = vector.broadcast %sub3A_61 : i32 to vector<16xi32>
    %sub3A_63 = arith.subi %add3A_60, %sub3A_62 : vector<16xi32>
    %convert_element_type3A_64 = arith.sitofp %shift_right_logical3A_46 : vector<16xi32> to vector<16xf32>
    %get3A_65 = arith.constant 32 : index
    %get3A_66 = tpu.vector_load %arg10[%get3A_65] {strides = array<i32>} : memref<64xi32, #tpu.memory_space<vmem>>, vector<16xi32>,
    %get3A_67 = vector.shape_cast %get3A_66 : vector<16xi32> to vector<16xi32>
    %get3A_68 = arith.constant 32 : index
    %get3A_69 = tpu.vector_load %arg8[%get3A_68] {strides = array<i32>} : memref<64xi32, #tpu.memory_space<vmem>>, vector<16xi32>,
    %get3A_70 = vector.shape_cast %get3A_69 : vector<16xi32> to vector<16xi32>
    %mul3A_71 = arith.constant 21504 : i32
    %mul3A_72 = vector.broadcast %mul3A_71 : i32 to vector<16xi32>
    %mul3A_73 = arith.muli %get3A_70, %mul3A_72 : vector<16xi32>
    %get3A_74 = arith.constant 32 : index
    %get3A_75 = tpu.vector_load %arg9[%get3A_74] {strides = array<i32>} : memref<64xi32, #tpu.memory_space<vmem>>, vector<16xi32>,
    %get3A_76 = vector.shape_cast %get3A_75 : vector<16xi32> to vector<16xi32>
    %add3A_77 = arith.addi %mul3A_73, %get3A_76 : vector<16xi32>
    %shift_right_logical3A_78 = arith.constant 7 : i32
    %shift_right_logical3A_79 = vector.broadcast %shift_right_logical3A_78 : i32 to vector<16xi32>
    %shift_right_logical3A_80 = arith.shrui %get3A_67, %shift_right_logical3A_79 : vector<16xi32>
    %mul3A_81 = arith.constant 128 : i32
    %mul3A_82 = vector.broadcast %mul3A_81 : i32 to vector<16xi32>
    %mul3A_83 = arith.muli %add3A_77, %mul3A_82 : vector<16xi32>
    %min3A_84 = arith.constant 127 : i32
    %min3A_85 = vector.broadcast %min3A_84 : i32 to vector<16xi32>
    %min3A_86 = arith.minsi %get3A_67, %min3A_85 : vector<16xi32>
    %add3A_87 = arith.addi %mul3A_83, %min3A_86 : vector<16xi32>
    %mul3A_88 = arith.constant 128 : i32
    %mul3A_89 = vector.broadcast %mul3A_88 : i32 to vector<16xi32>
    %mul3A_90 = arith.muli %add3A_77, %mul3A_89 : vector<16xi32>
    %max3A_91 = arith.constant 96 : i32
    %max3A_92 = vector.broadcast %max3A_91 : i32 to vector<16xi32>
    %max3A_93 = arith.maxsi %get3A_67, %max3A_92 : vector<16xi32>
    %add3A_94 = arith.addi %mul3A_90, %max3A_93 : vector<16xi32>
    %sub3A_95 = arith.constant 96 : i32
    %sub3A_96 = vector.broadcast %sub3A_95 : i32 to vector<16xi32>
    %sub3A_97 = arith.subi %add3A_94, %sub3A_96 : vector<16xi32>
    %convert_element_type3A_98 = arith.sitofp %shift_right_logical3A_80 : vector<16xi32> to vector<16xf32>
    %get3A_99 = arith.constant 48 : index
    %get3A_100 = tpu.vector_load %arg10[%get3A_99] {strides = array<i32>} : memref<64xi32, #tpu.memory_space<vmem>>, vector<16xi32>,
    %get3A_101 = vector.shape_cast %get3A_100 : vector<16xi32> to vector<16xi32>
    %get3A_102 = arith.constant 48 : index
    %get3A_103 = tpu.vector_load %arg8[%get3A_102] {strides = array<i32>} : memref<64xi32, #tpu.memory_space<vmem>>, vector<16xi32>,
    %get3A_104 = vector.shape_cast %get3A_103 : vector<16xi32> to vector<16xi32>
    %mul3A_105 = arith.constant 21504 : i32
    %mul3A_106 = vector.broadcast %mul3A_105 : i32 to vector<16xi32>
    %mul3A_107 = arith.muli %get3A_104, %mul3A_106 : vector<16xi32>
    %get3A_108 = arith.constant 48 : index
    %get3A_109 = tpu.vector_load %arg9[%get3A_108] {strides = array<i32>} : memref<64xi32, #tpu.memory_space<vmem>>, vector<16xi32>,
    %get3A_110 = vector.shape_cast %get3A_109 : vector<16xi32> to vector<16xi32>
    %add3A_111 = arith.addi %mul3A_107, %get3A_110 : vector<16xi32>
    %shift_right_logical3A_112 = arith.constant 7 : i32
    %shift_right_logical3A_113 = vector.broadcast %shift_right_logical3A_112 : i32 to vector<16xi32>
    %shift_right_logical3A_114 = arith.shrui %get3A_101, %shift_right_logical3A_113 : vector<16xi32>
    %mul3A_115 = arith.constant 128 : i32
    %mul3A_116 = vector.broadcast %mul3A_115 : i32 to vector<16xi32>
    %mul3A_117 = arith.muli %add3A_111, %mul3A_116 : vector<16xi32>
    %min3A_118 = arith.constant 127 : i32
    %min3A_119 = vector.broadcast %min3A_118 : i32 to vector<16xi32>
    %min3A_120 = arith.minsi %get3A_101, %min3A_119 : vector<16xi32>
    %add3A_121 = arith.addi %mul3A_117, %min3A_120 : vector<16xi32>
    %mul3A_122 = arith.constant 128 : i32
    %mul3A_123 = vector.broadcast %mul3A_122 : i32 to vector<16xi32>
    %mul3A_124 = arith.muli %add3A_111, %mul3A_123 : vector<16xi32>
    %max3A_125 = arith.constant 96 : i32
    %max3A_126 = vector.broadcast %max3A_125 : i32 to vector<16xi32>
    %max3A_127 = arith.maxsi %get3A_101, %max3A_126 : vector<16xi32>
    %add3A_128 = arith.addi %mul3A_124, %max3A_127 : vector<16xi32>
    %sub3A_129 = arith.constant 96 : i32
    %sub3A_130 = vector.broadcast %sub3A_129 : i32 to vector<16xi32>
    %sub3A_131 = arith.subi %add3A_128, %sub3A_130 : vector<16xi32>
    %convert_element_type3A_132 = arith.sitofp %shift_right_logical3A_114 : vector<16xi32> to vector<16xf32>
    %scan3A = arith.constant 0 : i32
    %scan3A_133 = arith.constant 0 : i32
    %scan3A_134 = arith.constant 96 : i32
    %scan3A_135 = arith.addi %scan3A_133, %scan3A_134 : i32
    %scan3A_136 = arith.constant 1 : i32
    scf.for %scan3A_150 = %scan3A_133 to %scan3A_135 step %scan3A_136  : i32 {
      %mul3A_151 = arith.constant 28672 : i32
      %mul3A_152 = arith.muli %scan3A_150, %mul3A_151 : i32
      %mul3A_153 = arith.constant 64 : i32
      %mul3A_154 = arith.muli %scan3A_150, %mul3A_153 : i32
      %add3A_155 = arith.constant 0 : i32
      %add3A_156 = arith.addi %mul3A_154, %add3A_155 : i32
      %add3A_157 = vector.broadcast %mul3A_152 : i32 to vector<16xi32>
      %add3A_158 = arith.addi %add3A_22, %add3A_157 : vector<16xi32>
      %swap3A = arith.index_cast %add3A_156 : i32 to index
      %swap3A_159 = tpu.vector_load %arg11[%swap3A] {strides = array<i32>} : memref<6144xi32, #tpu.memory_space<vmem>>, vector<16xi32>,
      %swap3A_160 = vector.shape_cast %swap3A_159 : vector<16xi32> to vector<16xi32>
      %swap3A_161 = vector.shape_cast %add3A_158 : vector<16xi32> to vector<16xi32>
      tpu.vector_store %arg11[%swap3A], %swap3A_161 {strides = array<i32>} : memref<6144xi32, #tpu.memory_space<vmem>>, vector<16xi32>,
      %add3A_162 = vector.broadcast %mul3A_152 : i32 to vector<16xi32>
      %add3A_163 = arith.addi %sub3A_30, %add3A_162 : vector<16xi32>
      %swap3A_164 = arith.index_cast %add3A_156 : i32 to index
      %swap3A_165 = tpu.vector_load %arg12[%swap3A_164] {strides = array<i32>} : memref<6144xi32, #tpu.memory_space<vmem>>, vector<16xi32>,
      %swap3A_166 = vector.shape_cast %swap3A_165 : vector<16xi32> to vector<16xi32>
      %swap3A_167 = vector.shape_cast %add3A_163 : vector<16xi32> to vector<16xi32>
      tpu.vector_store %arg12[%swap3A_164], %swap3A_167 {strides = array<i32>} : memref<6144xi32, #tpu.memory_space<vmem>>, vector<16xi32>,
      %mul3A_168 = arith.constant 64 : i32
      %mul3A_169 = arith.muli %scan3A_150, %mul3A_168 : i32
      %add3A_170 = arith.constant 16 : i32
      %add3A_171 = arith.addi %mul3A_169, %add3A_170 : i32
      %add3A_172 = vector.broadcast %mul3A_152 : i32 to vector<16xi32>
      %add3A_173 = arith.addi %add3A_53, %add3A_172 : vector<16xi32>
      %swap3A_174 = arith.index_cast %add3A_171 : i32 to index
      %swap3A_175 = tpu.vector_load %arg11[%swap3A_174] {strides = array<i32>} : memref<6144xi32, #tpu.memory_space<vmem>>, vector<16xi32>,
      %swap3A_176 = vector.shape_cast %swap3A_175 : vector<16xi32> to vector<16xi32>
      %swap3A_177 = vector.shape_cast %add3A_173 : vector<16xi32> to vector<16xi32>
      tpu.vector_store %arg11[%swap3A_174], %swap3A_177 {strides = array<i32>} : memref<6144xi32, #tpu.memory_space<vmem>>, vector<16xi32>,
      %add3A_178 = vector.broadcast %mul3A_152 : i32 to vector<16xi32>
      %add3A_179 = arith.addi %sub3A_63, %add3A_178 : vector<16xi32>
      %swap3A_180 = arith.index_cast %add3A_171 : i32 to index
      %swap3A_181 = tpu.vector_load %arg12[%swap3A_180] {strides = array<i32>} : memref<6144xi32, #tpu.memory_space<vmem>>, vector<16xi32>,
      %swap3A_182 = vector.shape_cast %swap3A_181 : vector<16xi32> to vector<16xi32>
      %swap3A_183 = vector.shape_cast %add3A_179 : vector<16xi32> to vector<16xi32>
      tpu.vector_store %arg12[%swap3A_180], %swap3A_183 {strides = array<i32>} : memref<6144xi32, #tpu.memory_space<vmem>>, vector<16xi32>,
      %mul3A_184 = arith.constant 64 : i32
      %mul3A_185 = arith.muli %scan3A_150, %mul3A_184 : i32
      %add3A_186 = arith.constant 32 : i32
      %add3A_187 = arith.addi %mul3A_185, %add3A_186 : i32
      %add3A_188 = vector.broadcast %mul3A_152 : i32 to vector<16xi32>
      %add3A_189 = arith.addi %add3A_87, %add3A_188 : vector<16xi32>
      %swap3A_190 = arith.index_cast %add3A_187 : i32 to index
      %swap3A_191 = tpu.vector_load %arg11[%swap3A_190] {strides = array<i32>} : memref<6144xi32, #tpu.memory_space<vmem>>, vector<16xi32>,
      %swap3A_192 = vector.shape_cast %swap3A_191 : vector<16xi32> to vector<16xi32>
      %swap3A_193 = vector.shape_cast %add3A_189 : vector<16xi32> to vector<16xi32>
      tpu.vector_store %arg11[%swap3A_190], %swap3A_193 {strides = array<i32>} : memref<6144xi32, #tpu.memory_space<vmem>>, vector<16xi32>,
      %add3A_194 = vector.broadcast %mul3A_152 : i32 to vector<16xi32>
      %add3A_195 = arith.addi %sub3A_97, %add3A_194 : vector<16xi32>
      %swap3A_196 = arith.index_cast %add3A_187 : i32 to index
      %swap3A_197 = tpu.vector_load %arg12[%swap3A_196] {strides = array<i32>} : memref<6144xi32, #tpu.memory_space<vmem>>, vector<16xi32>,
      %swap3A_198 = vector.shape_cast %swap3A_197 : vector<16xi32> to vector<16xi32>
      %swap3A_199 = vector.shape_cast %add3A_195 : vector<16xi32> to vector<16xi32>
      tpu.vector_store %arg12[%swap3A_196], %swap3A_199 {strides = array<i32>} : memref<6144xi32, #tpu.memory_space<vmem>>, vector<16xi32>,
      %mul3A_200 = arith.constant 64 : i32
      %mul3A_201 = arith.muli %scan3A_150, %mul3A_200 : i32
      %add3A_202 = arith.constant 48 : i32
      %add3A_203 = arith.addi %mul3A_201, %add3A_202 : i32
      %add3A_204 = vector.broadcast %mul3A_152 : i32 to vector<16xi32>
      %add3A_205 = arith.addi %add3A_121, %add3A_204 : vector<16xi32>
      %swap3A_206 = arith.index_cast %add3A_203 : i32 to index
      %swap3A_207 = tpu.vector_load %arg11[%swap3A_206] {strides = array<i32>} : memref<6144xi32, #tpu.memory_space<vmem>>, vector<16xi32>,
      %swap3A_208 = vector.shape_cast %swap3A_207 : vector<16xi32> to vector<16xi32>
      %swap3A_209 = vector.shape_cast %add3A_205 : vector<16xi32> to vector<16xi32>
      tpu.vector_store %arg11[%swap3A_206], %swap3A_209 {strides = array<i32>} : memref<6144xi32, #tpu.memory_space<vmem>>, vector<16xi32>,
      %add3A_210 = vector.broadcast %mul3A_152 : i32 to vector<16xi32>
      %add3A_211 = arith.addi %sub3A_131, %add3A_210 : vector<16xi32>
      %swap3A_212 = arith.index_cast %add3A_203 : i32 to index
      %swap3A_213 = tpu.vector_load %arg12[%swap3A_212] {strides = array<i32>} : memref<6144xi32, #tpu.memory_space<vmem>>, vector<16xi32>,
      %swap3A_214 = vector.shape_cast %swap3A_213 : vector<16xi32> to vector<16xi32>
      %swap3A_215 = vector.shape_cast %add3A_211 : vector<16xi32> to vector<16xi32>
      tpu.vector_store %arg12[%swap3A_212], %swap3A_215 {strides = array<i32>} : memref<6144xi32, #tpu.memory_space<vmem>>, vector<16xi32>,
    }
    %scan3A_137 = arith.constant 96 : i32
    %scan3A_138 = arith.constant 0 : i32
    %scan3A_139 = arith.constant 0 : i32
    %scan3A_140 = arith.constant 12 : i32
    %scan3A_141 = arith.addi %scan3A_139, %scan3A_140 : i32
    %scan3A_142 = arith.constant 1 : i32
    scf.for %scan3A_150 = %scan3A_139 to %scan3A_141 step %scan3A_142  : i32 {
      %mul3A_151 = arith.constant 8 : i32
      %mul3A_152 = arith.muli %scan3A_150, %mul3A_151 : i32
      %add3A_153 = arith.constant 0 : i32
      %add3A_154 = arith.addi %mul3A_152, %add3A_153 : i32
      %mul3A_155 = arith.constant 64 : i32
      %mul3A_156 = arith.muli %add3A_154, %mul3A_155 : i32
      %dma_start3A = arith.constant 0 : i32
      %dma_start3A_157 = tpu.memref_slice %arg13[%add3A_154, %dma_start3A] : memref<96x64xf32, #tpu.memory_space<vmem>> -> memref<1x64xf32, #tpu.memory_space<vmem>>
      %dma_start3A_158 = tpu.memref_squeeze %dma_start3A_157 : memref<1x64xf32, #tpu.memory_space<vmem>> -> memref<64xf32, #tpu.memory_space<vmem>>
      %dma_start3A_159 = tpu.memref_slice %arg11[%mul3A_156] : memref<6144xi32, #tpu.memory_space<vmem>> -> memref<64xi32, #tpu.memory_space<vmem>>
      %dma_start3A_160 = arith.constant 0 : i32
      %dma_start3A_161 = tpu.memref_slice %arg2[%dma_start3A_160] : memref<22020096xf32, #tpu.memory_space<hbm>> -> memref<22020096xf32, #tpu.memory_space<hbm>>
      tpu.enqueue_indirect_dma source(%dma_start3A_161 : memref<22020096xf32, #tpu.memory_space<hbm>>) target(%dma_start3A_158 : memref<64xf32, #tpu.memory_space<vmem>>) offsets(%dma_start3A_159 : memref<64xi32, #tpu.memory_space<vmem>>) semaphore(%arg16 : memref<!tpu.dma_semaphore, #tpu.memory_space<semaphore_mem>>)
      %mul3A_162 = arith.constant 64 : i32
      %mul3A_163 = arith.muli %add3A_154, %mul3A_162 : i32
      %dma_start3A_164 = arith.constant 0 : i32
      %dma_start3A_165 = tpu.memref_slice %arg14[%add3A_154, %dma_start3A_164] : memref<96x64xf32, #tpu.memory_space<vmem>> -> memref<1x64xf32, #tpu.memory_space<vmem>>
      %dma_start3A_166 = tpu.memref_squeeze %dma_start3A_165 : memref<1x64xf32, #tpu.memory_space<vmem>> -> memref<64xf32, #tpu.memory_space<vmem>>
      %dma_start3A_167 = tpu.memref_slice %arg12[%mul3A_163] : memref<6144xi32, #tpu.memory_space<vmem>> -> memref<64xi32, #tpu.memory_space<vmem>>
      %dma_start3A_168 = arith.constant 0 : i32
      %dma_start3A_169 = tpu.memref_slice %arg3[%dma_start3A_168] : memref<22020096xf32, #tpu.memory_space<hbm>> -> memref<22020096xf32, #tpu.memory_space<hbm>>
      tpu.enqueue_indirect_dma source(%dma_start3A_169 : memref<22020096xf32, #tpu.memory_space<hbm>>) target(%dma_start3A_166 : memref<64xf32, #tpu.memory_space<vmem>>) offsets(%dma_start3A_167 : memref<64xi32, #tpu.memory_space<vmem>>) semaphore(%arg16 : memref<!tpu.dma_semaphore, #tpu.memory_space<semaphore_mem>>)
      %add3A_170 = arith.constant 1 : i32
      %add3A_171 = arith.addi %mul3A_152, %add3A_170 : i32
      %mul3A_172 = arith.constant 64 : i32
      %mul3A_173 = arith.muli %add3A_171, %mul3A_172 : i32
      %dma_start3A_174 = arith.constant 0 : i32
      %dma_start3A_175 = tpu.memref_slice %arg13[%add3A_171, %dma_start3A_174] : memref<96x64xf32, #tpu.memory_space<vmem>> -> memref<1x64xf32, #tpu.memory_space<vmem>>
      %dma_start3A_176 = tpu.memref_squeeze %dma_start3A_175 : memref<1x64xf32, #tpu.memory_space<vmem>> -> memref<64xf32, #tpu.memory_space<vmem>>
      %dma_start3A_177 = tpu.memref_slice %arg11[%mul3A_173] : memref<6144xi32, #tpu.memory_space<vmem>> -> memref<64xi32, #tpu.memory_space<vmem>>
      %dma_start3A_178 = arith.constant 0 : i32
      %dma_start3A_179 = tpu.memref_slice %arg2[%dma_start3A_178] : memref<22020096xf32, #tpu.memory_space<hbm>> -> memref<22020096xf32, #tpu.memory_space<hbm>>
      tpu.enqueue_indirect_dma source(%dma_start3A_179 : memref<22020096xf32, #tpu.memory_space<hbm>>) target(%dma_start3A_176 : memref<64xf32, #tpu.memory_space<vmem>>) offsets(%dma_start3A_177 : memref<64xi32, #tpu.memory_space<vmem>>) semaphore(%arg16 : memref<!tpu.dma_semaphore, #tpu.memory_space<semaphore_mem>>)
      %mul3A_180 = arith.constant 64 : i32
      %mul3A_181 = arith.muli %add3A_171, %mul3A_180 : i32
      %dma_start3A_182 = arith.constant 0 : i32
      %dma_start3A_183 = tpu.memref_slice %arg14[%add3A_171, %dma_start3A_182] : memref<96x64xf32, #tpu.memory_space<vmem>> -> memref<1x64xf32, #tpu.memory_space<vmem>>
      %dma_start3A_184 = tpu.memref_squeeze %dma_start3A_183 : memref<1x64xf32, #tpu.memory_space<vmem>> -> memref<64xf32, #tpu.memory_space<vmem>>
      %dma_start3A_185 = tpu.memref_slice %arg12[%mul3A_181] : memref<6144xi32, #tpu.memory_space<vmem>> -> memref<64xi32, #tpu.memory_space<vmem>>
      %dma_start3A_186 = arith.constant 0 : i32
      %dma_start3A_187 = tpu.memref_slice %arg3[%dma_start3A_186] : memref<22020096xf32, #tpu.memory_space<hbm>> -> memref<22020096xf32, #tpu.memory_space<hbm>>
      tpu.enqueue_indirect_dma source(%dma_start3A_187 : memref<22020096xf32, #tpu.memory_space<hbm>>) target(%dma_start3A_184 : memref<64xf32, #tpu.memory_space<vmem>>) offsets(%dma_start3A_185 : memref<64xi32, #tpu.memory_space<vmem>>) semaphore(%arg16 : memref<!tpu.dma_semaphore, #tpu.memory_space<semaphore_mem>>)
      %add3A_188 = arith.constant 2 : i32
      %add3A_189 = arith.addi %mul3A_152, %add3A_188 : i32
      %mul3A_190 = arith.constant 64 : i32
      %mul3A_191 = arith.muli %add3A_189, %mul3A_190 : i32
      %dma_start3A_192 = arith.constant 0 : i32
      %dma_start3A_193 = tpu.memref_slice %arg13[%add3A_189, %dma_start3A_192] : memref<96x64xf32, #tpu.memory_space<vmem>> -> memref<1x64xf32, #tpu.memory_space<vmem>>
      %dma_start3A_194 = tpu.memref_squeeze %dma_start3A_193 : memref<1x64xf32, #tpu.memory_space<vmem>> -> memref<64xf32, #tpu.memory_space<vmem>>
      %dma_start3A_195 = tpu.memref_slice %arg11[%mul3A_191] : memref<6144xi32, #tpu.memory_space<vmem>> -> memref<64xi32, #tpu.memory_space<vmem>>
      %dma_start3A_196 = arith.constant 0 : i32
      %dma_start3A_197 = tpu.memref_slice %arg2[%dma_start3A_196] : memref<22020096xf32, #tpu.memory_space<hbm>> -> memref<22020096xf32, #tpu.memory_space<hbm>>
      tpu.enqueue_indirect_dma source(%dma_start3A_197 : memref<22020096xf32, #tpu.memory_space<hbm>>) target(%dma_start3A_194 : memref<64xf32, #tpu.memory_space<vmem>>) offsets(%dma_start3A_195 : memref<64xi32, #tpu.memory_space<vmem>>) semaphore(%arg16 : memref<!tpu.dma_semaphore, #tpu.memory_space<semaphore_mem>>)
      %mul3A_198 = arith.constant 64 : i32
      %mul3A_199 = arith.muli %add3A_189, %mul3A_198 : i32
      %dma_start3A_200 = arith.constant 0 : i32
      %dma_start3A_201 = tpu.memref_slice %arg14[%add3A_189, %dma_start3A_200] : memref<96x64xf32, #tpu.memory_space<vmem>> -> memref<1x64xf32, #tpu.memory_space<vmem>>
      %dma_start3A_202 = tpu.memref_squeeze %dma_start3A_201 : memref<1x64xf32, #tpu.memory_space<vmem>> -> memref<64xf32, #tpu.memory_space<vmem>>
      %dma_start3A_203 = tpu.memref_slice %arg12[%mul3A_199] : memref<6144xi32, #tpu.memory_space<vmem>> -> memref<64xi32, #tpu.memory_space<vmem>>
      %dma_start3A_204 = arith.constant 0 : i32
      %dma_start3A_205 = tpu.memref_slice %arg3[%dma_start3A_204] : memref<22020096xf32, #tpu.memory_space<hbm>> -> memref<22020096xf32, #tpu.memory_space<hbm>>
      tpu.enqueue_indirect_dma source(%dma_start3A_205 : memref<22020096xf32, #tpu.memory_space<hbm>>) target(%dma_start3A_202 : memref<64xf32, #tpu.memory_space<vmem>>) offsets(%dma_start3A_203 : memref<64xi32, #tpu.memory_space<vmem>>) semaphore(%arg16 : memref<!tpu.dma_semaphore, #tpu.memory_space<semaphore_mem>>)
      %add3A_206 = arith.constant 3 : i32
      %add3A_207 = arith.addi %mul3A_152, %add3A_206 : i32
      %mul3A_208 = arith.constant 64 : i32
      %mul3A_209 = arith.muli %add3A_207, %mul3A_208 : i32
      %dma_start3A_210 = arith.constant 0 : i32
      %dma_start3A_211 = tpu.memref_slice %arg13[%add3A_207, %dma_start3A_210] : memref<96x64xf32, #tpu.memory_space<vmem>> -> memref<1x64xf32, #tpu.memory_space<vmem>>
      %dma_start3A_212 = tpu.memref_squeeze %dma_start3A_211 : memref<1x64xf32, #tpu.memory_space<vmem>> -> memref<64xf32, #tpu.memory_space<vmem>>
      %dma_start3A_213 = tpu.memref_slice %arg11[%mul3A_209] : memref<6144xi32, #tpu.memory_space<vmem>> -> memref<64xi32, #tpu.memory_space<vmem>>
      %dma_start3A_214 = arith.constant 0 : i32
      %dma_start3A_215 = tpu.memref_slice %arg2[%dma_start3A_214] : memref<22020096xf32, #tpu.memory_space<hbm>> -> memref<22020096xf32, #tpu.memory_space<hbm>>
      tpu.enqueue_indirect_dma source(%dma_start3A_215 : memref<22020096xf32, #tpu.memory_space<hbm>>) target(%dma_start3A_212 : memref<64xf32, #tpu.memory_space<vmem>>) offsets(%dma_start3A_213 : memref<64xi32, #tpu.memory_space<vmem>>) semaphore(%arg16 : memref<!tpu.dma_semaphore, #tpu.memory_space<semaphore_mem>>)
      %mul3A_216 = arith.constant 64 : i32
      %mul3A_217 = arith.muli %add3A_207, %mul3A_216 : i32
      %dma_start3A_218 = arith.constant 0 : i32
      %dma_start3A_219 = tpu.memref_slice %arg14[%add3A_207, %dma_start3A_218] : memref<96x64xf32, #tpu.memory_space<vmem>> -> memref<1x64xf32, #tpu.memory_space<vmem>>
      %dma_start3A_220 = tpu.memref_squeeze %dma_start3A_219 : memref<1x64xf32, #tpu.memory_space<vmem>> -> memref<64xf32, #tpu.memory_space<vmem>>
      %dma_start3A_221 = tpu.memref_slice %arg12[%mul3A_217] : memref<6144xi32, #tpu.memory_space<vmem>> -> memref<64xi32, #tpu.memory_space<vmem>>
      %dma_start3A_222 = arith.constant 0 : i32
      %dma_start3A_223 = tpu.memref_slice %arg3[%dma_start3A_222] : memref<22020096xf32, #tpu.memory_space<hbm>> -> memref<22020096xf32, #tpu.memory_space<hbm>>
      tpu.enqueue_indirect_dma source(%dma_start3A_223 : memref<22020096xf32, #tpu.memory_space<hbm>>) target(%dma_start3A_220 : memref<64xf32, #tpu.memory_space<vmem>>) offsets(%dma_start3A_221 : memref<64xi32, #tpu.memory_space<vmem>>) semaphore(%arg16 : memref<!tpu.dma_semaphore, #tpu.memory_space<semaphore_mem>>)
      %add3A_224 = arith.constant 4 : i32
      %add3A_225 = arith.addi %mul3A_152, %add3A_224 : i32
      %mul3A_226 = arith.constant 64 : i32
      %mul3A_227 = arith.muli %add3A_225, %mul3A_226 : i32
      %dma_start3A_228 = arith.constant 0 : i32
      %dma_start3A_229 = tpu.memref_slice %arg13[%add3A_225, %dma_start3A_228] : memref<96x64xf32, #tpu.memory_space<vmem>> -> memref<1x64xf32, #tpu.memory_space<vmem>>
      %dma_start3A_230 = tpu.memref_squeeze %dma_start3A_229 : memref<1x64xf32, #tpu.memory_space<vmem>> -> memref<64xf32, #tpu.memory_space<vmem>>
      %dma_start3A_231 = tpu.memref_slice %arg11[%mul3A_227] : memref<6144xi32, #tpu.memory_space<vmem>> -> memref<64xi32, #tpu.memory_space<vmem>>
      %dma_start3A_232 = arith.constant 0 : i32
      %dma_start3A_233 = tpu.memref_slice %arg2[%dma_start3A_232] : memref<22020096xf32, #tpu.memory_space<hbm>> -> memref<22020096xf32, #tpu.memory_space<hbm>>
      tpu.enqueue_indirect_dma source(%dma_start3A_233 : memref<22020096xf32, #tpu.memory_space<hbm>>) target(%dma_start3A_230 : memref<64xf32, #tpu.memory_space<vmem>>) offsets(%dma_start3A_231 : memref<64xi32, #tpu.memory_space<vmem>>) semaphore(%arg16 : memref<!tpu.dma_semaphore, #tpu.memory_space<semaphore_mem>>)
      %mul3A_234 = arith.constant 64 : i32
      %mul3A_235 = arith.muli %add3A_225, %mul3A_234 : i32
      %dma_start3A_236 = arith.constant 0 : i32
      %dma_start3A_237 = tpu.memref_slice %arg14[%add3A_225, %dma_start3A_236] : memref<96x64xf32, #tpu.memory_space<vmem>> -> memref<1x64xf32, #tpu.memory_space<vmem>>
      %dma_start3A_238 = tpu.memref_squeeze %dma_start3A_237 : memref<1x64xf32, #tpu.memory_space<vmem>> -> memref<64xf32, #tpu.memory_space<vmem>>
      %dma_start3A_239 = tpu.memref_slice %arg12[%mul3A_235] : memref<6144xi32, #tpu.memory_space<vmem>> -> memref<64xi32, #tpu.memory_space<vmem>>
      %dma_start3A_240 = arith.constant 0 : i32
      %dma_start3A_241 = tpu.memref_slice %arg3[%dma_start3A_240] : memref<22020096xf32, #tpu.memory_space<hbm>> -> memref<22020096xf32, #tpu.memory_space<hbm>>
      tpu.enqueue_indirect_dma source(%dma_start3A_241 : memref<22020096xf32, #tpu.memory_space<hbm>>) target(%dma_start3A_238 : memref<64xf32, #tpu.memory_space<vmem>>) offsets(%dma_start3A_239 : memref<64xi32, #tpu.memory_space<vmem>>) semaphore(%arg16 : memref<!tpu.dma_semaphore, #tpu.memory_space<semaphore_mem>>)
      %add3A_242 = arith.constant 5 : i32
      %add3A_243 = arith.addi %mul3A_152, %add3A_242 : i32
      %mul3A_244 = arith.constant 64 : i32
      %mul3A_245 = arith.muli %add3A_243, %mul3A_244 : i32
      %dma_start3A_246 = arith.constant 0 : i32
      %dma_start3A_247 = tpu.memref_slice %arg13[%add3A_243, %dma_start3A_246] : memref<96x64xf32, #tpu.memory_space<vmem>> -> memref<1x64xf32, #tpu.memory_space<vmem>>
      %dma_start3A_248 = tpu.memref_squeeze %dma_start3A_247 : memref<1x64xf32, #tpu.memory_space<vmem>> -> memref<64xf32, #tpu.memory_space<vmem>>
      %dma_start3A_249 = tpu.memref_slice %arg11[%mul3A_245] : memref<6144xi32, #tpu.memory_space<vmem>> -> memref<64xi32, #tpu.memory_space<vmem>>
      %dma_start3A_250 = arith.constant 0 : i32
      %dma_start3A_251 = tpu.memref_slice %arg2[%dma_start3A_250] : memref<22020096xf32, #tpu.memory_space<hbm>> -> memref<22020096xf32, #tpu.memory_space<hbm>>
      tpu.enqueue_indirect_dma source(%dma_start3A_251 : memref<22020096xf32, #tpu.memory_space<hbm>>) target(%dma_start3A_248 : memref<64xf32, #tpu.memory_space<vmem>>) offsets(%dma_start3A_249 : memref<64xi32, #tpu.memory_space<vmem>>) semaphore(%arg16 : memref<!tpu.dma_semaphore, #tpu.memory_space<semaphore_mem>>)
      %mul3A_252 = arith.constant 64 : i32
      %mul3A_253 = arith.muli %add3A_243, %mul3A_252 : i32
      %dma_start3A_254 = arith.constant 0 : i32
      %dma_start3A_255 = tpu.memref_slice %arg14[%add3A_243, %dma_start3A_254] : memref<96x64xf32, #tpu.memory_space<vmem>> -> memref<1x64xf32, #tpu.memory_space<vmem>>
      %dma_start3A_256 = tpu.memref_squeeze %dma_start3A_255 : memref<1x64xf32, #tpu.memory_space<vmem>> -> memref<64xf32, #tpu.memory_space<vmem>>
      %dma_start3A_257 = tpu.memref_slice %arg12[%mul3A_253] : memref<6144xi32, #tpu.memory_space<vmem>> -> memref<64xi32, #tpu.memory_space<vmem>>
      %dma_start3A_258 = arith.constant 0 : i32
      %dma_start3A_259 = tpu.memref_slice %arg3[%dma_start3A_258] : memref<22020096xf32, #tpu.memory_space<hbm>> -> memref<22020096xf32, #tpu.memory_space<hbm>>
      tpu.enqueue_indirect_dma source(%dma_start3A_259 : memref<22020096xf32, #tpu.memory_space<hbm>>) target(%dma_start3A_256 : memref<64xf32, #tpu.memory_space<vmem>>) offsets(%dma_start3A_257 : memref<64xi32, #tpu.memory_space<vmem>>) semaphore(%arg16 : memref<!tpu.dma_semaphore, #tpu.memory_space<semaphore_mem>>)
      %add3A_260 = arith.constant 6 : i32
      %add3A_261 = arith.addi %mul3A_152, %add3A_260 : i32
      %mul3A_262 = arith.constant 64 : i32
      %mul3A_263 = arith.muli %add3A_261, %mul3A_262 : i32
      %dma_start3A_264 = arith.constant 0 : i32
      %dma_start3A_265 = tpu.memref_slice %arg13[%add3A_261, %dma_start3A_264] : memref<96x64xf32, #tpu.memory_space<vmem>> -> memref<1x64xf32, #tpu.memory_space<vmem>>
      %dma_start3A_266 = tpu.memref_squeeze %dma_start3A_265 : memref<1x64xf32, #tpu.memory_space<vmem>> -> memref<64xf32, #tpu.memory_space<vmem>>
      %dma_start3A_267 = tpu.memref_slice %arg11[%mul3A_263] : memref<6144xi32, #tpu.memory_space<vmem>> -> memref<64xi32, #tpu.memory_space<vmem>>
      %dma_start3A_268 = arith.constant 0 : i32
      %dma_start3A_269 = tpu.memref_slice %arg2[%dma_start3A_268] : memref<22020096xf32, #tpu.memory_space<hbm>> -> memref<22020096xf32, #tpu.memory_space<hbm>>
      tpu.enqueue_indirect_dma source(%dma_start3A_269 : memref<22020096xf32, #tpu.memory_space<hbm>>) target(%dma_start3A_266 : memref<64xf32, #tpu.memory_space<vmem>>) offsets(%dma_start3A_267 : memref<64xi32, #tpu.memory_space<vmem>>) semaphore(%arg16 : memref<!tpu.dma_semaphore, #tpu.memory_space<semaphore_mem>>)
      %mul3A_270 = arith.constant 64 : i32
      %mul3A_271 = arith.muli %add3A_261, %mul3A_270 : i32
      %dma_start3A_272 = arith.constant 0 : i32
      %dma_start3A_273 = tpu.memref_slice %arg14[%add3A_261, %dma_start3A_272] : memref<96x64xf32, #tpu.memory_space<vmem>> -> memref<1x64xf32, #tpu.memory_space<vmem>>
      %dma_start3A_274 = tpu.memref_squeeze %dma_start3A_273 : memref<1x64xf32, #tpu.memory_space<vmem>> -> memref<64xf32, #tpu.memory_space<vmem>>
      %dma_start3A_275 = tpu.memref_slice %arg12[%mul3A_271] : memref<6144xi32, #tpu.memory_space<vmem>> -> memref<64xi32, #tpu.memory_space<vmem>>
      %dma_start3A_276 = arith.constant 0 : i32
      %dma_start3A_277 = tpu.memref_slice %arg3[%dma_start3A_276] : memref<22020096xf32, #tpu.memory_space<hbm>> -> memref<22020096xf32, #tpu.memory_space<hbm>>
      tpu.enqueue_indirect_dma source(%dma_start3A_277 : memref<22020096xf32, #tpu.memory_space<hbm>>) target(%dma_start3A_274 : memref<64xf32, #tpu.memory_space<vmem>>) offsets(%dma_start3A_275 : memref<64xi32, #tpu.memory_space<vmem>>) semaphore(%arg16 : memref<!tpu.dma_semaphore, #tpu.memory_space<semaphore_mem>>)
      %add3A_278 = arith.constant 7 : i32
      %add3A_279 = arith.addi %mul3A_152, %add3A_278 : i32
      %mul3A_280 = arith.constant 64 : i32
      %mul3A_281 = arith.muli %add3A_279, %mul3A_280 : i32
      %dma_start3A_282 = arith.constant 0 : i32
      %dma_start3A_283 = tpu.memref_slice %arg13[%add3A_279, %dma_start3A_282] : memref<96x64xf32, #tpu.memory_space<vmem>> -> memref<1x64xf32, #tpu.memory_space<vmem>>
      %dma_start3A_284 = tpu.memref_squeeze %dma_start3A_283 : memref<1x64xf32, #tpu.memory_space<vmem>> -> memref<64xf32, #tpu.memory_space<vmem>>
      %dma_start3A_285 = tpu.memref_slice %arg11[%mul3A_281] : memref<6144xi32, #tpu.memory_space<vmem>> -> memref<64xi32, #tpu.memory_space<vmem>>
      %dma_start3A_286 = arith.constant 0 : i32
      %dma_start3A_287 = tpu.memref_slice %arg2[%dma_start3A_286] : memref<22020096xf32, #tpu.memory_space<hbm>> -> memref<22020096xf32, #tpu.memory_space<hbm>>
      tpu.enqueue_indirect_dma source(%dma_start3A_287 : memref<22020096xf32, #tpu.memory_space<hbm>>) target(%dma_start3A_284 : memref<64xf32, #tpu.memory_space<vmem>>) offsets(%dma_start3A_285 : memref<64xi32, #tpu.memory_space<vmem>>) semaphore(%arg16 : memref<!tpu.dma_semaphore, #tpu.memory_space<semaphore_mem>>)
      %mul3A_288 = arith.constant 64 : i32
      %mul3A_289 = arith.muli %add3A_279, %mul3A_288 : i32
      %dma_start3A_290 = arith.constant 0 : i32
      %dma_start3A_291 = tpu.memref_slice %arg14[%add3A_279, %dma_start3A_290] : memref<96x64xf32, #tpu.memory_space<vmem>> -> memref<1x64xf32, #tpu.memory_space<vmem>>
      %dma_start3A_292 = tpu.memref_squeeze %dma_start3A_291 : memref<1x64xf32, #tpu.memory_space<vmem>> -> memref<64xf32, #tpu.memory_space<vmem>>
      %dma_start3A_293 = tpu.memref_slice %arg12[%mul3A_289] : memref<6144xi32, #tpu.memory_space<vmem>> -> memref<64xi32, #tpu.memory_space<vmem>>
      %dma_start3A_294 = arith.constant 0 : i32
      %dma_start3A_295 = tpu.memref_slice %arg3[%dma_start3A_294] : memref<22020096xf32, #tpu.memory_space<hbm>> -> memref<22020096xf32, #tpu.memory_space<hbm>>
      tpu.enqueue_indirect_dma source(%dma_start3A_295 : memref<22020096xf32, #tpu.memory_space<hbm>>) target(%dma_start3A_292 : memref<64xf32, #tpu.memory_space<vmem>>) offsets(%dma_start3A_293 : memref<64xi32, #tpu.memory_space<vmem>>) semaphore(%arg16 : memref<!tpu.dma_semaphore, #tpu.memory_space<semaphore_mem>>)
      %dma_wait3A = arith.constant 0 : i32
      %dma_wait3A_296 = tpu.memref_slice %arg13[%add3A_154, %dma_wait3A] : memref<96x64xf32, #tpu.memory_space<vmem>> -> memref<1x64xf32, #tpu.memory_space<vmem>>
      %dma_wait3A_297 = tpu.memref_squeeze %dma_wait3A_296 : memref<1x64xf32, #tpu.memory_space<vmem>> -> memref<64xf32, #tpu.memory_space<vmem>>
      %dma_wait3A_298 = tpu.memref_slice %arg11[%mul3A_156] : memref<6144xi32, #tpu.memory_space<vmem>> -> memref<64xi32, #tpu.memory_space<vmem>>
      %dma_wait3A_299 = arith.constant 0 : i32
      %dma_wait3A_300 = tpu.memref_slice %arg2[%dma_wait3A_299] : memref<22020096xf32, #tpu.memory_space<hbm>> -> memref<22020096xf32, #tpu.memory_space<hbm>>
      tpu.wait_indirect_dma semaphore(%arg16 : memref<!tpu.dma_semaphore, #tpu.memory_space<semaphore_mem>>) src(%dma_wait3A_300 : memref<22020096xf32, #tpu.memory_space<hbm>>) dst(%dma_wait3A_297 : memref<64xf32, #tpu.memory_space<vmem>>)
      %dma_wait3A_301 = arith.constant 0 : i32
      %dma_wait3A_302 = tpu.memref_slice %arg14[%add3A_154, %dma_wait3A_301] : memref<96x64xf32, #tpu.memory_space<vmem>> -> memref<1x64xf32, #tpu.memory_space<vmem>>
      %dma_wait3A_303 = tpu.memref_squeeze %dma_wait3A_302 : memref<1x64xf32, #tpu.memory_space<vmem>> -> memref<64xf32, #tpu.memory_space<vmem>>
      %dma_wait3A_304 = tpu.memref_slice %arg12[%mul3A_163] : memref<6144xi32, #tpu.memory_space<vmem>> -> memref<64xi32, #tpu.memory_space<vmem>>
      %dma_wait3A_305 = arith.constant 0 : i32
      %dma_wait3A_306 = tpu.memref_slice %arg3[%dma_wait3A_305] : memref<22020096xf32, #tpu.memory_space<hbm>> -> memref<22020096xf32, #tpu.memory_space<hbm>>
      tpu.wait_indirect_dma semaphore(%arg16 : memref<!tpu.dma_semaphore, #tpu.memory_space<semaphore_mem>>) src(%dma_wait3A_306 : memref<22020096xf32, #tpu.memory_space<hbm>>) dst(%dma_wait3A_303 : memref<64xf32, #tpu.memory_space<vmem>>)
      %dma_wait3A_307 = arith.constant 0 : i32
      %dma_wait3A_308 = tpu.memref_slice %arg13[%add3A_171, %dma_wait3A_307] : memref<96x64xf32, #tpu.memory_space<vmem>> -> memref<1x64xf32, #tpu.memory_space<vmem>>
      %dma_wait3A_309 = tpu.memref_squeeze %dma_wait3A_308 : memref<1x64xf32, #tpu.memory_space<vmem>> -> memref<64xf32, #tpu.memory_space<vmem>>
      %dma_wait3A_310 = tpu.memref_slice %arg11[%mul3A_173] : memref<6144xi32, #tpu.memory_space<vmem>> -> memref<64xi32, #tpu.memory_space<vmem>>
      %dma_wait3A_311 = arith.constant 0 : i32
      %dma_wait3A_312 = tpu.memref_slice %arg2[%dma_wait3A_311] : memref<22020096xf32, #tpu.memory_space<hbm>> -> memref<22020096xf32, #tpu.memory_space<hbm>>
      tpu.wait_indirect_dma semaphore(%arg16 : memref<!tpu.dma_semaphore, #tpu.memory_space<semaphore_mem>>) src(%dma_wait3A_312 : memref<22020096xf32, #tpu.memory_space<hbm>>) dst(%dma_wait3A_309 : memref<64xf32, #tpu.memory_space<vmem>>)
      %dma_wait3A_313 = arith.constant 0 : i32
      %dma_wait3A_314 = tpu.memref_slice %arg14[%add3A_171, %dma_wait3A_313] : memref<96x64xf32, #tpu.memory_space<vmem>> -> memref<1x64xf32, #tpu.memory_space<vmem>>
      %dma_wait3A_315 = tpu.memref_squeeze %dma_wait3A_314 : memref<1x64xf32, #tpu.memory_space<vmem>> -> memref<64xf32, #tpu.memory_space<vmem>>
      %dma_wait3A_316 = tpu.memref_slice %arg12[%mul3A_181] : memref<6144xi32, #tpu.memory_space<vmem>> -> memref<64xi32, #tpu.memory_space<vmem>>
      %dma_wait3A_317 = arith.constant 0 : i32
      %dma_wait3A_318 = tpu.memref_slice %arg3[%dma_wait3A_317] : memref<22020096xf32, #tpu.memory_space<hbm>> -> memref<22020096xf32, #tpu.memory_space<hbm>>
      tpu.wait_indirect_dma semaphore(%arg16 : memref<!tpu.dma_semaphore, #tpu.memory_space<semaphore_mem>>) src(%dma_wait3A_318 : memref<22020096xf32, #tpu.memory_space<hbm>>) dst(%dma_wait3A_315 : memref<64xf32, #tpu.memory_space<vmem>>)
      %dma_wait3A_319 = arith.constant 0 : i32
      %dma_wait3A_320 = tpu.memref_slice %arg13[%add3A_189, %dma_wait3A_319] : memref<96x64xf32, #tpu.memory_space<vmem>> -> memref<1x64xf32, #tpu.memory_space<vmem>>
      %dma_wait3A_321 = tpu.memref_squeeze %dma_wait3A_320 : memref<1x64xf32, #tpu.memory_space<vmem>> -> memref<64xf32, #tpu.memory_space<vmem>>
      %dma_wait3A_322 = tpu.memref_slice %arg11[%mul3A_191] : memref<6144xi32, #tpu.memory_space<vmem>> -> memref<64xi32, #tpu.memory_space<vmem>>
      %dma_wait3A_323 = arith.constant 0 : i32
      %dma_wait3A_324 = tpu.memref_slice %arg2[%dma_wait3A_323] : memref<22020096xf32, #tpu.memory_space<hbm>> -> memref<22020096xf32, #tpu.memory_space<hbm>>
      tpu.wait_indirect_dma semaphore(%arg16 : memref<!tpu.dma_semaphore, #tpu.memory_space<semaphore_mem>>) src(%dma_wait3A_324 : memref<22020096xf32, #tpu.memory_space<hbm>>) dst(%dma_wait3A_321 : memref<64xf32, #tpu.memory_space<vmem>>)
      %dma_wait3A_325 = arith.constant 0 : i32
      %dma_wait3A_326 = tpu.memref_slice %arg14[%add3A_189, %dma_wait3A_325] : memref<96x64xf32, #tpu.memory_space<vmem>> -> memref<1x64xf32, #tpu.memory_space<vmem>>
      %dma_wait3A_327 = tpu.memref_squeeze %dma_wait3A_326 : memref<1x64xf32, #tpu.memory_space<vmem>> -> memref<64xf32, #tpu.memory_space<vmem>>
      %dma_wait3A_328 = tpu.memref_slice %arg12[%mul3A_199] : memref<6144xi32, #tpu.memory_space<vmem>> -> memref<64xi32, #tpu.memory_space<vmem>>
      %dma_wait3A_329 = arith.constant 0 : i32
      %dma_wait3A_330 = tpu.memref_slice %arg3[%dma_wait3A_329] : memref<22020096xf32, #tpu.memory_space<hbm>> -> memref<22020096xf32, #tpu.memory_space<hbm>>
      tpu.wait_indirect_dma semaphore(%arg16 : memref<!tpu.dma_semaphore, #tpu.memory_space<semaphore_mem>>) src(%dma_wait3A_330 : memref<22020096xf32, #tpu.memory_space<hbm>>) dst(%dma_wait3A_327 : memref<64xf32, #tpu.memory_space<vmem>>)
      %dma_wait3A_331 = arith.constant 0 : i32
      %dma_wait3A_332 = tpu.memref_slice %arg13[%add3A_207, %dma_wait3A_331] : memref<96x64xf32, #tpu.memory_space<vmem>> -> memref<1x64xf32, #tpu.memory_space<vmem>>
      %dma_wait3A_333 = tpu.memref_squeeze %dma_wait3A_332 : memref<1x64xf32, #tpu.memory_space<vmem>> -> memref<64xf32, #tpu.memory_space<vmem>>
      %dma_wait3A_334 = tpu.memref_slice %arg11[%mul3A_209] : memref<6144xi32, #tpu.memory_space<vmem>> -> memref<64xi32, #tpu.memory_space<vmem>>
      %dma_wait3A_335 = arith.constant 0 : i32
      %dma_wait3A_336 = tpu.memref_slice %arg2[%dma_wait3A_335] : memref<22020096xf32, #tpu.memory_space<hbm>> -> memref<22020096xf32, #tpu.memory_space<hbm>>
      tpu.wait_indirect_dma semaphore(%arg16 : memref<!tpu.dma_semaphore, #tpu.memory_space<semaphore_mem>>) src(%dma_wait3A_336 : memref<22020096xf32, #tpu.memory_space<hbm>>) dst(%dma_wait3A_333 : memref<64xf32, #tpu.memory_space<vmem>>)
      %dma_wait3A_337 = arith.constant 0 : i32
      %dma_wait3A_338 = tpu.memref_slice %arg14[%add3A_207, %dma_wait3A_337] : memref<96x64xf32, #tpu.memory_space<vmem>> -> memref<1x64xf32, #tpu.memory_space<vmem>>
      %dma_wait3A_339 = tpu.memref_squeeze %dma_wait3A_338 : memref<1x64xf32, #tpu.memory_space<vmem>> -> memref<64xf32, #tpu.memory_space<vmem>>
      %dma_wait3A_340 = tpu.memref_slice %arg12[%mul3A_217] : memref<6144xi32, #tpu.memory_space<vmem>> -> memref<64xi32, #tpu.memory_space<vmem>>
      %dma_wait3A_341 = arith.constant 0 : i32
      %dma_wait3A_342 = tpu.memref_slice %arg3[%dma_wait3A_341] : memref<22020096xf32, #tpu.memory_space<hbm>> -> memref<22020096xf32, #tpu.memory_space<hbm>>
      tpu.wait_indirect_dma semaphore(%arg16 : memref<!tpu.dma_semaphore, #tpu.memory_space<semaphore_mem>>) src(%dma_wait3A_342 : memref<22020096xf32, #tpu.memory_space<hbm>>) dst(%dma_wait3A_339 : memref<64xf32, #tpu.memory_space<vmem>>)
      %dma_wait3A_343 = arith.constant 0 : i32
      %dma_wait3A_344 = tpu.memref_slice %arg13[%add3A_225, %dma_wait3A_343] : memref<96x64xf32, #tpu.memory_space<vmem>> -> memref<1x64xf32, #tpu.memory_space<vmem>>
      %dma_wait3A_345 = tpu.memref_squeeze %dma_wait3A_344 : memref<1x64xf32, #tpu.memory_space<vmem>> -> memref<64xf32, #tpu.memory_space<vmem>>
      %dma_wait3A_346 = tpu.memref_slice %arg11[%mul3A_227] : memref<6144xi32, #tpu.memory_space<vmem>> -> memref<64xi32, #tpu.memory_space<vmem>>
      %dma_wait3A_347 = arith.constant 0 : i32
      %dma_wait3A_348 = tpu.memref_slice %arg2[%dma_wait3A_347] : memref<22020096xf32, #tpu.memory_space<hbm>> -> memref<22020096xf32, #tpu.memory_space<hbm>>
      tpu.wait_indirect_dma semaphore(%arg16 : memref<!tpu.dma_semaphore, #tpu.memory_space<semaphore_mem>>) src(%dma_wait3A_348 : memref<22020096xf32, #tpu.memory_space<hbm>>) dst(%dma_wait3A_345 : memref<64xf32, #tpu.memory_space<vmem>>)
      %dma_wait3A_349 = arith.constant 0 : i32
      %dma_wait3A_350 = tpu.memref_slice %arg14[%add3A_225, %dma_wait3A_349] : memref<96x64xf32, #tpu.memory_space<vmem>> -> memref<1x64xf32, #tpu.memory_space<vmem>>
      %dma_wait3A_351 = tpu.memref_squeeze %dma_wait3A_350 : memref<1x64xf32, #tpu.memory_space<vmem>> -> memref<64xf32, #tpu.memory_space<vmem>>
      %dma_wait3A_352 = tpu.memref_slice %arg12[%mul3A_235] : memref<6144xi32, #tpu.memory_space<vmem>> -> memref<64xi32, #tpu.memory_space<vmem>>
      %dma_wait3A_353 = arith.constant 0 : i32
      %dma_wait3A_354 = tpu.memref_slice %arg3[%dma_wait3A_353] : memref<22020096xf32, #tpu.memory_space<hbm>> -> memref<22020096xf32, #tpu.memory_space<hbm>>
      tpu.wait_indirect_dma semaphore(%arg16 : memref<!tpu.dma_semaphore, #tpu.memory_space<semaphore_mem>>) src(%dma_wait3A_354 : memref<22020096xf32, #tpu.memory_space<hbm>>) dst(%dma_wait3A_351 : memref<64xf32, #tpu.memory_space<vmem>>)
      %dma_wait3A_355 = arith.constant 0 : i32
      %dma_wait3A_356 = tpu.memref_slice %arg13[%add3A_243, %dma_wait3A_355] : memref<96x64xf32, #tpu.memory_space<vmem>> -> memref<1x64xf32, #tpu.memory_space<vmem>>
      %dma_wait3A_357 = tpu.memref_squeeze %dma_wait3A_356 : memref<1x64xf32, #tpu.memory_space<vmem>> -> memref<64xf32, #tpu.memory_space<vmem>>
      %dma_wait3A_358 = tpu.memref_slice %arg11[%mul3A_245] : memref<6144xi32, #tpu.memory_space<vmem>> -> memref<64xi32, #tpu.memory_space<vmem>>
      %dma_wait3A_359 = arith.constant 0 : i32
      %dma_wait3A_360 = tpu.memref_slice %arg2[%dma_wait3A_359] : memref<22020096xf32, #tpu.memory_space<hbm>> -> memref<22020096xf32, #tpu.memory_space<hbm>>
      tpu.wait_indirect_dma semaphore(%arg16 : memref<!tpu.dma_semaphore, #tpu.memory_space<semaphore_mem>>) src(%dma_wait3A_360 : memref<22020096xf32, #tpu.memory_space<hbm>>) dst(%dma_wait3A_357 : memref<64xf32, #tpu.memory_space<vmem>>)
      %dma_wait3A_361 = arith.constant 0 : i32
      %dma_wait3A_362 = tpu.memref_slice %arg14[%add3A_243, %dma_wait3A_361] : memref<96x64xf32, #tpu.memory_space<vmem>> -> memref<1x64xf32, #tpu.memory_space<vmem>>
      %dma_wait3A_363 = tpu.memref_squeeze %dma_wait3A_362 : memref<1x64xf32, #tpu.memory_space<vmem>> -> memref<64xf32, #tpu.memory_space<vmem>>
      %dma_wait3A_364 = tpu.memref_slice %arg12[%mul3A_253] : memref<6144xi32, #tpu.memory_space<vmem>> -> memref<64xi32, #tpu.memory_space<vmem>>
      %dma_wait3A_365 = arith.constant 0 : i32
      %dma_wait3A_366 = tpu.memref_slice %arg3[%dma_wait3A_365] : memref<22020096xf32, #tpu.memory_space<hbm>> -> memref<22020096xf32, #tpu.memory_space<hbm>>
      tpu.wait_indirect_dma semaphore(%arg16 : memref<!tpu.dma_semaphore, #tpu.memory_space<semaphore_mem>>) src(%dma_wait3A_366 : memref<22020096xf32, #tpu.memory_space<hbm>>) dst(%dma_wait3A_363 : memref<64xf32, #tpu.memory_space<vmem>>)
      %dma_wait3A_367 = arith.constant 0 : i32
      %dma_wait3A_368 = tpu.memref_slice %arg13[%add3A_261, %dma_wait3A_367] : memref<96x64xf32, #tpu.memory_space<vmem>> -> memref<1x64xf32, #tpu.memory_space<vmem>>
      %dma_wait3A_369 = tpu.memref_squeeze %dma_wait3A_368 : memref<1x64xf32, #tpu.memory_space<vmem>> -> memref<64xf32, #tpu.memory_space<vmem>>
      %dma_wait3A_370 = tpu.memref_slice %arg11[%mul3A_263] : memref<6144xi32, #tpu.memory_space<vmem>> -> memref<64xi32, #tpu.memory_space<vmem>>
      %dma_wait3A_371 = arith.constant 0 : i32
      %dma_wait3A_372 = tpu.memref_slice %arg2[%dma_wait3A_371] : memref<22020096xf32, #tpu.memory_space<hbm>> -> memref<22020096xf32, #tpu.memory_space<hbm>>
      tpu.wait_indirect_dma semaphore(%arg16 : memref<!tpu.dma_semaphore, #tpu.memory_space<semaphore_mem>>) src(%dma_wait3A_372 : memref<22020096xf32, #tpu.memory_space<hbm>>) dst(%dma_wait3A_369 : memref<64xf32, #tpu.memory_space<vmem>>)
      %dma_wait3A_373 = arith.constant 0 : i32
      %dma_wait3A_374 = tpu.memref_slice %arg14[%add3A_261, %dma_wait3A_373] : memref<96x64xf32, #tpu.memory_space<vmem>> -> memref<1x64xf32, #tpu.memory_space<vmem>>
      %dma_wait3A_375 = tpu.memref_squeeze %dma_wait3A_374 : memref<1x64xf32, #tpu.memory_space<vmem>> -> memref<64xf32, #tpu.memory_space<vmem>>
      %dma_wait3A_376 = tpu.memref_slice %arg12[%mul3A_271] : memref<6144xi32, #tpu.memory_space<vmem>> -> memref<64xi32, #tpu.memory_space<vmem>>
      %dma_wait3A_377 = arith.constant 0 : i32
      %dma_wait3A_378 = tpu.memref_slice %arg3[%dma_wait3A_377] : memref<22020096xf32, #tpu.memory_space<hbm>> -> memref<22020096xf32, #tpu.memory_space<hbm>>
      tpu.wait_indirect_dma semaphore(%arg16 : memref<!tpu.dma_semaphore, #tpu.memory_space<semaphore_mem>>) src(%dma_wait3A_378 : memref<22020096xf32, #tpu.memory_space<hbm>>) dst(%dma_wait3A_375 : memref<64xf32, #tpu.memory_space<vmem>>)
      %dma_wait3A_379 = arith.constant 0 : i32
      %dma_wait3A_380 = tpu.memref_slice %arg13[%add3A_279, %dma_wait3A_379] : memref<96x64xf32, #tpu.memory_space<vmem>> -> memref<1x64xf32, #tpu.memory_space<vmem>>
      %dma_wait3A_381 = tpu.memref_squeeze %dma_wait3A_380 : memref<1x64xf32, #tpu.memory_space<vmem>> -> memref<64xf32, #tpu.memory_space<vmem>>
      %dma_wait3A_382 = tpu.memref_slice %arg11[%mul3A_281] : memref<6144xi32, #tpu.memory_space<vmem>> -> memref<64xi32, #tpu.memory_space<vmem>>
      %dma_wait3A_383 = arith.constant 0 : i32
      %dma_wait3A_384 = tpu.memref_slice %arg2[%dma_wait3A_383] : memref<22020096xf32, #tpu.memory_space<hbm>> -> memref<22020096xf32, #tpu.memory_space<hbm>>
      tpu.wait_indirect_dma semaphore(%arg16 : memref<!tpu.dma_semaphore, #tpu.memory_space<semaphore_mem>>) src(%dma_wait3A_384 : memref<22020096xf32, #tpu.memory_space<hbm>>) dst(%dma_wait3A_381 : memref<64xf32, #tpu.memory_space<vmem>>)
      %dma_wait3A_385 = arith.constant 0 : i32
      %dma_wait3A_386 = tpu.memref_slice %arg14[%add3A_279, %dma_wait3A_385] : memref<96x64xf32, #tpu.memory_space<vmem>> -> memref<1x64xf32, #tpu.memory_space<vmem>>
      %dma_wait3A_387 = tpu.memref_squeeze %dma_wait3A_386 : memref<1x64xf32, #tpu.memory_space<vmem>> -> memref<64xf32, #tpu.memory_space<vmem>>
      %dma_wait3A_388 = tpu.memref_slice %arg12[%mul3A_289] : memref<6144xi32, #tpu.memory_space<vmem>> -> memref<64xi32, #tpu.memory_space<vmem>>
      %dma_wait3A_389 = arith.constant 0 : i32
      %dma_wait3A_390 = tpu.memref_slice %arg3[%dma_wait3A_389] : memref<22020096xf32, #tpu.memory_space<hbm>> -> memref<22020096xf32, #tpu.memory_space<hbm>>
      tpu.wait_indirect_dma semaphore(%arg16 : memref<!tpu.dma_semaphore, #tpu.memory_space<semaphore_mem>>) src(%dma_wait3A_390 : memref<22020096xf32, #tpu.memory_space<hbm>>) dst(%dma_wait3A_387 : memref<64xf32, #tpu.memory_space<vmem>>)
    }
    %scan3A_143 = arith.constant 12 : i32
    %scan3A_144 = arith.constant 0 : i32
    %scan3A_145 = arith.constant 0 : i32
    %scan3A_146 = arith.constant 96 : i32
    %scan3A_147 = arith.addi %scan3A_145, %scan3A_146 : i32
    %scan3A_148 = arith.constant 1 : i32
    scf.for %scan3A_150 = %scan3A_145 to %scan3A_147 step %scan3A_148  : i32 {
      %get3A_151 = arith.index_cast %scan3A_150 : i32 to index
      %get3A_152 = arith.constant 0 : index
      %get3A_153 = tpu.vector_load %arg13[%get3A_151, %get3A_152] {strides = array<i32>} : memref<96x64xf32, #tpu.memory_space<vmem>>, vector<1x16xf32>,
      %get3A_154 = vector.shape_cast %get3A_153 : vector<1x16xf32> to vector<16xf32>
      %sub3A_155 = arith.constant 1.000000e+00 : f32
      %sub3A_156 = vector.broadcast %sub3A_155 : f32 to vector<16xf32>
      %sub3A_157 = arith.subf %sub3A_156, %convert_element_type3A : vector<16xf32>
      %mul3A_158 = arith.mulf %get3A_154, %sub3A_157 : vector<16xf32>
      %get3A_159 = arith.index_cast %scan3A_150 : i32 to index
      %get3A_160 = arith.constant 0 : index
      %get3A_161 = tpu.vector_load %arg14[%get3A_159, %get3A_160] {strides = array<i32>} : memref<96x64xf32, #tpu.memory_space<vmem>>, vector<1x16xf32>,
      %get3A_162 = vector.shape_cast %get3A_161 : vector<1x16xf32> to vector<16xf32>
      %mul3A_163 = arith.mulf %get3A_162, %convert_element_type3A : vector<16xf32>
      %add3A_164 = arith.addf %mul3A_158, %mul3A_163 : vector<16xf32>
      %swap3A = arith.index_cast %scan3A_150 : i32 to index
      %swap3A_165 = arith.constant 0 : index
      %swap3A_166 = tpu.vector_load %arg15[%swap3A, %swap3A_165] {strides = array<i32>} : memref<96x64xf32, #tpu.memory_space<vmem>>, vector<1x16xf32>,
      %swap3A_167 = vector.shape_cast %swap3A_166 : vector<1x16xf32> to vector<16xf32>
      %swap3A_168 = vector.shape_cast %add3A_164 : vector<16xf32> to vector<1x16xf32>
      tpu.vector_store %arg15[%swap3A, %swap3A_165], %swap3A_168 {strides = array<i32>} : memref<96x64xf32, #tpu.memory_space<vmem>>, vector<1x16xf32>,
      %get3A_169 = arith.index_cast %scan3A_150 : i32 to index
      %get3A_170 = arith.constant 16 : index
      %get3A_171 = tpu.vector_load %arg13[%get3A_169, %get3A_170] {strides = array<i32>} : memref<96x64xf32, #tpu.memory_space<vmem>>, vector<1x16xf32>,
      %get3A_172 = vector.shape_cast %get3A_171 : vector<1x16xf32> to vector<16xf32>
      %sub3A_173 = arith.constant 1.000000e+00 : f32
      %sub3A_174 = vector.broadcast %sub3A_173 : f32 to vector<16xf32>
      %sub3A_175 = arith.subf %sub3A_174, %convert_element_type3A_64 : vector<16xf32>
      %mul3A_176 = arith.mulf %get3A_172, %sub3A_175 : vector<16xf32>
      %get3A_177 = arith.index_cast %scan3A_150 : i32 to index
      %get3A_178 = arith.constant 16 : index
      %get3A_179 = tpu.vector_load %arg14[%get3A_177, %get3A_178] {strides = array<i32>} : memref<96x64xf32, #tpu.memory_space<vmem>>, vector<1x16xf32>,
      %get3A_180 = vector.shape_cast %get3A_179 : vector<1x16xf32> to vector<16xf32>
      %mul3A_181 = arith.mulf %get3A_180, %convert_element_type3A_64 : vector<16xf32>
      %add3A_182 = arith.addf %mul3A_176, %mul3A_181 : vector<16xf32>
      %swap3A_183 = arith.index_cast %scan3A_150 : i32 to index
      %swap3A_184 = arith.constant 16 : index
      %swap3A_185 = tpu.vector_load %arg15[%swap3A_183, %swap3A_184] {strides = array<i32>} : memref<96x64xf32, #tpu.memory_space<vmem>>, vector<1x16xf32>,
      %swap3A_186 = vector.shape_cast %swap3A_185 : vector<1x16xf32> to vector<16xf32>
      %swap3A_187 = vector.shape_cast %add3A_182 : vector<16xf32> to vector<1x16xf32>
      tpu.vector_store %arg15[%swap3A_183, %swap3A_184], %swap3A_187 {strides = array<i32>} : memref<96x64xf32, #tpu.memory_space<vmem>>, vector<1x16xf32>,
      %get3A_188 = arith.index_cast %scan3A_150 : i32 to index
      %get3A_189 = arith.constant 32 : index
      %get3A_190 = tpu.vector_load %arg13[%get3A_188, %get3A_189] {strides = array<i32>} : memref<96x64xf32, #tpu.memory_space<vmem>>, vector<1x16xf32>,
      %get3A_191 = vector.shape_cast %get3A_190 : vector<1x16xf32> to vector<16xf32>
      %sub3A_192 = arith.constant 1.000000e+00 : f32
      %sub3A_193 = vector.broadcast %sub3A_192 : f32 to vector<16xf32>
      %sub3A_194 = arith.subf %sub3A_193, %convert_element_type3A_98 : vector<16xf32>
      %mul3A_195 = arith.mulf %get3A_191, %sub3A_194 : vector<16xf32>
      %get3A_196 = arith.index_cast %scan3A_150 : i32 to index
      %get3A_197 = arith.constant 32 : index
      %get3A_198 = tpu.vector_load %arg14[%get3A_196, %get3A_197] {strides = array<i32>} : memref<96x64xf32, #tpu.memory_space<vmem>>, vector<1x16xf32>,
      %get3A_199 = vector.shape_cast %get3A_198 : vector<1x16xf32> to vector<16xf32>
      %mul3A_200 = arith.mulf %get3A_199, %convert_element_type3A_98 : vector<16xf32>
      %add3A_201 = arith.addf %mul3A_195, %mul3A_200 : vector<16xf32>
      %swap3A_202 = arith.index_cast %scan3A_150 : i32 to index
      %swap3A_203 = arith.constant 32 : index
      %swap3A_204 = tpu.vector_load %arg15[%swap3A_202, %swap3A_203] {strides = array<i32>} : memref<96x64xf32, #tpu.memory_space<vmem>>, vector<1x16xf32>,
      %swap3A_205 = vector.shape_cast %swap3A_204 : vector<1x16xf32> to vector<16xf32>
      %swap3A_206 = vector.shape_cast %add3A_201 : vector<16xf32> to vector<1x16xf32>
      tpu.vector_store %arg15[%swap3A_202, %swap3A_203], %swap3A_206 {strides = array<i32>} : memref<96x64xf32, #tpu.memory_space<vmem>>, vector<1x16xf32>,
      %get3A_207 = arith.index_cast %scan3A_150 : i32 to index
      %get3A_208 = arith.constant 48 : index
      %get3A_209 = tpu.vector_load %arg13[%get3A_207, %get3A_208] {strides = array<i32>} : memref<96x64xf32, #tpu.memory_space<vmem>>, vector<1x16xf32>,
      %get3A_210 = vector.shape_cast %get3A_209 : vector<1x16xf32> to vector<16xf32>
      %sub3A_211 = arith.constant 1.000000e+00 : f32
      %sub3A_212 = vector.broadcast %sub3A_211 : f32 to vector<16xf32>
      %sub3A_213 = arith.subf %sub3A_212, %convert_element_type3A_132 : vector<16xf32>
      %mul3A_214 = arith.mulf %get3A_210, %sub3A_213 : vector<16xf32>
      %get3A_215 = arith.index_cast %scan3A_150 : i32 to index
      %get3A_216 = arith.constant 48 : index
      %get3A_217 = tpu.vector_load %arg14[%get3A_215, %get3A_216] {strides = array<i32>} : memref<96x64xf32, #tpu.memory_space<vmem>>, vector<1x16xf32>,
      %get3A_218 = vector.shape_cast %get3A_217 : vector<1x16xf32> to vector<16xf32>
      %mul3A_219 = arith.mulf %get3A_218, %convert_element_type3A_132 : vector<16xf32>
      %add3A_220 = arith.addf %mul3A_214, %mul3A_219 : vector<16xf32>
      %swap3A_221 = arith.index_cast %scan3A_150 : i32 to index
      %swap3A_222 = arith.constant 48 : index
      %swap3A_223 = tpu.vector_load %arg15[%swap3A_221, %swap3A_222] {strides = array<i32>} : memref<96x64xf32, #tpu.memory_space<vmem>>, vector<1x16xf32>,
      %swap3A_224 = vector.shape_cast %swap3A_223 : vector<1x16xf32> to vector<16xf32>
      %swap3A_225 = vector.shape_cast %add3A_220 : vector<16xf32> to vector<1x16xf32>
      tpu.vector_store %arg15[%swap3A_221, %swap3A_222], %swap3A_225 {strides = array<i32>} : memref<96x64xf32, #tpu.memory_space<vmem>>, vector<1x16xf32>,
    }
    %scan3A_149 = arith.constant 96 : i32
    "tpu.region"() ({
      %run_scoped3A = tpu.sem_alloc : memref<!tpu.dma_semaphore, #tpu.memory_space<semaphore_mem>>
      %dma_start3A = arith.constant 0 : i32
      %dma_start3A_150 = arith.constant 0 : i32
      %dma_start3A_151 = tpu.memref_slice %arg7[%add3A, %dma_start3A, %dma_start3A_150] : memref<32x96x64xf32, #tpu.memory_space<hbm>> -> memref<1x96x64xf32, #tpu.memory_space<hbm>>
      %dma_start3A_152 = tpu.memref_squeeze %dma_start3A_151 : memref<1x96x64xf32, #tpu.memory_space<hbm>> -> memref<96x64xf32, #tpu.memory_space<hbm>>
      %dma_start3A_153 = arith.constant 0 : i32
      %dma_start3A_154 = arith.constant 0 : i32
      %dma_start3A_155 = tpu.memref_slice %arg7[%add3A, %dma_start3A_153, %dma_start3A_154] : memref<32x96x64xf32, #tpu.memory_space<hbm>> -> memref<1x96x64xf32, #tpu.memory_space<hbm>>
      %dma_start3A_156 = tpu.memref_squeeze %dma_start3A_155 : memref<1x96x64xf32, #tpu.memory_space<hbm>> -> memref<96x64xf32, #tpu.memory_space<hbm>>
      tpu.enqueue_dma source(%arg15 : memref<96x64xf32, #tpu.memory_space<vmem>>) target(%dma_start3A_156 : memref<96x64xf32, #tpu.memory_space<hbm>>) target_semaphore(%run_scoped3A : memref<!tpu.dma_semaphore, #tpu.memory_space<semaphore_mem>>)
      %dma_wait3A = arith.constant 0 : i32
      %dma_wait3A_157 = arith.constant 0 : i32
      %dma_wait3A_158 = tpu.memref_slice %arg7[%add3A, %dma_wait3A, %dma_wait3A_157] : memref<32x96x64xf32, #tpu.memory_space<hbm>> -> memref<1x96x64xf32, #tpu.memory_space<hbm>>
      %dma_wait3A_159 = tpu.memref_squeeze %dma_wait3A_158 : memref<1x96x64xf32, #tpu.memory_space<hbm>> -> memref<96x64xf32, #tpu.memory_space<hbm>>
      %dma_wait3A_160 = arith.constant 0 : i32
      %dma_wait3A_161 = arith.constant 0 : i32
      %dma_wait3A_162 = tpu.memref_slice %arg7[%add3A, %dma_wait3A_160, %dma_wait3A_161] : memref<32x96x64xf32, #tpu.memory_space<hbm>> -> memref<1x96x64xf32, #tpu.memory_space<hbm>>
      %dma_wait3A_163 = tpu.memref_squeeze %dma_wait3A_162 : memref<1x96x64xf32, #tpu.memory_space<hbm>> -> memref<96x64xf32, #tpu.memory_space<hbm>>
      tpu.wait_dma2 semaphore(%run_scoped3A : memref<!tpu.dma_semaphore, #tpu.memory_space<semaphore_mem>>) src(%arg15 : memref<96x64xf32, #tpu.memory_space<vmem>>) dst(%dma_wait3A_163 : memref<96x64xf32, #tpu.memory_space<hbm>>)
      tpu.yield
    }) : () -> ()
    return
  }
}

module attributes {stable_mosaic.version = 14 : i64} {
  func.func @_bcast_body(%arg0: i32, %arg1: memref<32x96x64xf32, #tpu.memory_space<vmem>>, %arg2: memref<96x8x2000xf32, #tpu.memory_space<vmem>>) attributes {dimension_semantics = [#tpu.dimension_semantics<arbitrary>], iteration_bounds = array<i64: 28>, scalar_prefetch = 0 : i64, scratch_operands = 0 : i64, tpu.core_type = #tpu.core_type<tc>, window_params = [{pipeline_mode = #tpu.pipeline_mode<synchronous>, transform_indices = @transform_0, window_bounds = array<i64: 32, 96, 64>}, {transform_indices = @transform_1, window_bounds = array<i64: 96, 8, 2000>}]} {
    %get3A = arith.constant 0 : index
    %get3A_0 = arith.constant 0 : index
    %get3A_1 = arith.constant 0 : index
    %get3A_2 = vector.load %arg1[%get3A, %get3A_0, %get3A_1] : memref<32x96x64xf32, #tpu.memory_space<vmem>>, vector<32x96x64xf32>
    %slice3A = vector.extract_strided_slice %get3A_2 {offsets = [0, 0, 0], sizes = [1, 96, 64], strides = [1, 1, 1]} : vector<32x96x64xf32> to vector<1x96x64xf32>
    %squeeze3A = vector.shape_cast %slice3A : vector<1x96x64xf32> to vector<96x64xf32>
    %slice3A_3 = vector.extract_strided_slice %get3A_2 {offsets = [1, 0, 0], sizes = [1, 96, 64], strides = [1, 1, 1]} : vector<32x96x64xf32> to vector<1x96x64xf32>
    %squeeze3A_4 = vector.shape_cast %slice3A_3 : vector<1x96x64xf32> to vector<96x64xf32>
    %slice3A_5 = vector.extract_strided_slice %get3A_2 {offsets = [2, 0, 0], sizes = [1, 96, 64], strides = [1, 1, 1]} : vector<32x96x64xf32> to vector<1x96x64xf32>
    %squeeze3A_6 = vector.shape_cast %slice3A_5 : vector<1x96x64xf32> to vector<96x64xf32>
    %slice3A_7 = vector.extract_strided_slice %get3A_2 {offsets = [3, 0, 0], sizes = [1, 96, 64], strides = [1, 1, 1]} : vector<32x96x64xf32> to vector<1x96x64xf32>
    %squeeze3A_8 = vector.shape_cast %slice3A_7 : vector<1x96x64xf32> to vector<96x64xf32>
    %slice3A_9 = vector.extract_strided_slice %get3A_2 {offsets = [4, 0, 0], sizes = [1, 96, 64], strides = [1, 1, 1]} : vector<32x96x64xf32> to vector<1x96x64xf32>
    %squeeze3A_10 = vector.shape_cast %slice3A_9 : vector<1x96x64xf32> to vector<96x64xf32>
    %slice3A_11 = vector.extract_strided_slice %get3A_2 {offsets = [5, 0, 0], sizes = [1, 96, 64], strides = [1, 1, 1]} : vector<32x96x64xf32> to vector<1x96x64xf32>
    %squeeze3A_12 = vector.shape_cast %slice3A_11 : vector<1x96x64xf32> to vector<96x64xf32>
    %slice3A_13 = vector.extract_strided_slice %get3A_2 {offsets = [6, 0, 0], sizes = [1, 96, 64], strides = [1, 1, 1]} : vector<32x96x64xf32> to vector<1x96x64xf32>
    %squeeze3A_14 = vector.shape_cast %slice3A_13 : vector<1x96x64xf32> to vector<96x64xf32>
    %slice3A_15 = vector.extract_strided_slice %get3A_2 {offsets = [7, 0, 0], sizes = [1, 96, 64], strides = [1, 1, 1]} : vector<32x96x64xf32> to vector<1x96x64xf32>
    %squeeze3A_16 = vector.shape_cast %slice3A_15 : vector<1x96x64xf32> to vector<96x64xf32>
    %slice3A_17 = vector.extract_strided_slice %get3A_2 {offsets = [8, 0, 0], sizes = [1, 96, 64], strides = [1, 1, 1]} : vector<32x96x64xf32> to vector<1x96x64xf32>
    %squeeze3A_18 = vector.shape_cast %slice3A_17 : vector<1x96x64xf32> to vector<96x64xf32>
    %slice3A_19 = vector.extract_strided_slice %get3A_2 {offsets = [9, 0, 0], sizes = [1, 96, 64], strides = [1, 1, 1]} : vector<32x96x64xf32> to vector<1x96x64xf32>
    %squeeze3A_20 = vector.shape_cast %slice3A_19 : vector<1x96x64xf32> to vector<96x64xf32>
    %slice3A_21 = vector.extract_strided_slice %get3A_2 {offsets = [10, 0, 0], sizes = [1, 96, 64], strides = [1, 1, 1]} : vector<32x96x64xf32> to vector<1x96x64xf32>
    %squeeze3A_22 = vector.shape_cast %slice3A_21 : vector<1x96x64xf32> to vector<96x64xf32>
    %slice3A_23 = vector.extract_strided_slice %get3A_2 {offsets = [11, 0, 0], sizes = [1, 96, 64], strides = [1, 1, 1]} : vector<32x96x64xf32> to vector<1x96x64xf32>
    %squeeze3A_24 = vector.shape_cast %slice3A_23 : vector<1x96x64xf32> to vector<96x64xf32>
    %slice3A_25 = vector.extract_strided_slice %get3A_2 {offsets = [12, 0, 0], sizes = [1, 96, 64], strides = [1, 1, 1]} : vector<32x96x64xf32> to vector<1x96x64xf32>
    %squeeze3A_26 = vector.shape_cast %slice3A_25 : vector<1x96x64xf32> to vector<96x64xf32>
    %slice3A_27 = vector.extract_strided_slice %get3A_2 {offsets = [13, 0, 0], sizes = [1, 96, 64], strides = [1, 1, 1]} : vector<32x96x64xf32> to vector<1x96x64xf32>
    %squeeze3A_28 = vector.shape_cast %slice3A_27 : vector<1x96x64xf32> to vector<96x64xf32>
    %slice3A_29 = vector.extract_strided_slice %get3A_2 {offsets = [14, 0, 0], sizes = [1, 96, 64], strides = [1, 1, 1]} : vector<32x96x64xf32> to vector<1x96x64xf32>
    %squeeze3A_30 = vector.shape_cast %slice3A_29 : vector<1x96x64xf32> to vector<96x64xf32>
    %slice3A_31 = vector.extract_strided_slice %get3A_2 {offsets = [15, 0, 0], sizes = [1, 96, 64], strides = [1, 1, 1]} : vector<32x96x64xf32> to vector<1x96x64xf32>
    %squeeze3A_32 = vector.shape_cast %slice3A_31 : vector<1x96x64xf32> to vector<96x64xf32>
    %slice3A_33 = vector.extract_strided_slice %get3A_2 {offsets = [16, 0, 0], sizes = [1, 96, 64], strides = [1, 1, 1]} : vector<32x96x64xf32> to vector<1x96x64xf32>
    %squeeze3A_34 = vector.shape_cast %slice3A_33 : vector<1x96x64xf32> to vector<96x64xf32>
    %slice3A_35 = vector.extract_strided_slice %get3A_2 {offsets = [17, 0, 0], sizes = [1, 96, 64], strides = [1, 1, 1]} : vector<32x96x64xf32> to vector<1x96x64xf32>
    %squeeze3A_36 = vector.shape_cast %slice3A_35 : vector<1x96x64xf32> to vector<96x64xf32>
    %slice3A_37 = vector.extract_strided_slice %get3A_2 {offsets = [18, 0, 0], sizes = [1, 96, 64], strides = [1, 1, 1]} : vector<32x96x64xf32> to vector<1x96x64xf32>
    %squeeze3A_38 = vector.shape_cast %slice3A_37 : vector<1x96x64xf32> to vector<96x64xf32>
    %slice3A_39 = vector.extract_strided_slice %get3A_2 {offsets = [19, 0, 0], sizes = [1, 96, 64], strides = [1, 1, 1]} : vector<32x96x64xf32> to vector<1x96x64xf32>
    %squeeze3A_40 = vector.shape_cast %slice3A_39 : vector<1x96x64xf32> to vector<96x64xf32>
    %slice3A_41 = vector.extract_strided_slice %get3A_2 {offsets = [20, 0, 0], sizes = [1, 96, 64], strides = [1, 1, 1]} : vector<32x96x64xf32> to vector<1x96x64xf32>
    %squeeze3A_42 = vector.shape_cast %slice3A_41 : vector<1x96x64xf32> to vector<96x64xf32>
    %slice3A_43 = vector.extract_strided_slice %get3A_2 {offsets = [21, 0, 0], sizes = [1, 96, 64], strides = [1, 1, 1]} : vector<32x96x64xf32> to vector<1x96x64xf32>
    %squeeze3A_44 = vector.shape_cast %slice3A_43 : vector<1x96x64xf32> to vector<96x64xf32>
    %slice3A_45 = vector.extract_strided_slice %get3A_2 {offsets = [22, 0, 0], sizes = [1, 96, 64], strides = [1, 1, 1]} : vector<32x96x64xf32> to vector<1x96x64xf32>
    %squeeze3A_46 = vector.shape_cast %slice3A_45 : vector<1x96x64xf32> to vector<96x64xf32>
    %slice3A_47 = vector.extract_strided_slice %get3A_2 {offsets = [23, 0, 0], sizes = [1, 96, 64], strides = [1, 1, 1]} : vector<32x96x64xf32> to vector<1x96x64xf32>
    %squeeze3A_48 = vector.shape_cast %slice3A_47 : vector<1x96x64xf32> to vector<96x64xf32>
    %slice3A_49 = vector.extract_strided_slice %get3A_2 {offsets = [24, 0, 0], sizes = [1, 96, 64], strides = [1, 1, 1]} : vector<32x96x64xf32> to vector<1x96x64xf32>
    %squeeze3A_50 = vector.shape_cast %slice3A_49 : vector<1x96x64xf32> to vector<96x64xf32>
    %slice3A_51 = vector.extract_strided_slice %get3A_2 {offsets = [25, 0, 0], sizes = [1, 96, 64], strides = [1, 1, 1]} : vector<32x96x64xf32> to vector<1x96x64xf32>
    %squeeze3A_52 = vector.shape_cast %slice3A_51 : vector<1x96x64xf32> to vector<96x64xf32>
    %slice3A_53 = vector.extract_strided_slice %get3A_2 {offsets = [26, 0, 0], sizes = [1, 96, 64], strides = [1, 1, 1]} : vector<32x96x64xf32> to vector<1x96x64xf32>
    %squeeze3A_54 = vector.shape_cast %slice3A_53 : vector<1x96x64xf32> to vector<96x64xf32>
    %slice3A_55 = vector.extract_strided_slice %get3A_2 {offsets = [27, 0, 0], sizes = [1, 96, 64], strides = [1, 1, 1]} : vector<32x96x64xf32> to vector<1x96x64xf32>
    %squeeze3A_56 = vector.shape_cast %slice3A_55 : vector<1x96x64xf32> to vector<96x64xf32>
    %slice3A_57 = vector.extract_strided_slice %get3A_2 {offsets = [28, 0, 0], sizes = [1, 96, 64], strides = [1, 1, 1]} : vector<32x96x64xf32> to vector<1x96x64xf32>
    %squeeze3A_58 = vector.shape_cast %slice3A_57 : vector<1x96x64xf32> to vector<96x64xf32>
    %slice3A_59 = vector.extract_strided_slice %get3A_2 {offsets = [29, 0, 0], sizes = [1, 96, 64], strides = [1, 1, 1]} : vector<32x96x64xf32> to vector<1x96x64xf32>
    %squeeze3A_60 = vector.shape_cast %slice3A_59 : vector<1x96x64xf32> to vector<96x64xf32>
    %slice3A_61 = vector.extract_strided_slice %get3A_2 {offsets = [30, 0, 0], sizes = [1, 96, 64], strides = [1, 1, 1]} : vector<32x96x64xf32> to vector<1x96x64xf32>
    %squeeze3A_62 = vector.shape_cast %slice3A_61 : vector<1x96x64xf32> to vector<96x64xf32>
    %slice3A_63 = vector.extract_strided_slice %get3A_2 {offsets = [31, 0, 0], sizes = [1, 96, 64], strides = [1, 1, 1]} : vector<32x96x64xf32> to vector<1x96x64xf32>
    %squeeze3A_64 = vector.shape_cast %slice3A_63 : vector<1x96x64xf32> to vector<96x64xf32>
    %concatenate3A = tpu.concatenate %squeeze3A, %squeeze3A_4, %squeeze3A_6, %squeeze3A_8, %squeeze3A_10, %squeeze3A_12, %squeeze3A_14, %squeeze3A_16, %squeeze3A_18, %squeeze3A_20, %squeeze3A_22, %squeeze3A_24, %squeeze3A_26, %squeeze3A_28, %squeeze3A_30, %squeeze3A_32, %squeeze3A_34, %squeeze3A_36, %squeeze3A_38, %squeeze3A_40, %squeeze3A_42, %squeeze3A_44, %squeeze3A_46, %squeeze3A_48, %squeeze3A_50, %squeeze3A_52, %squeeze3A_54, %squeeze3A_56, %squeeze3A_58, %squeeze3A_60, %squeeze3A_62, %squeeze3A_64 in 1 : vector<96x64xf32>, vector<96x64xf32>, vector<96x64xf32>, vector<96x64xf32>, vector<96x64xf32>, vector<96x64xf32>, vector<96x64xf32>, vector<96x64xf32>, vector<96x64xf32>, vector<96x64xf32>, vector<96x64xf32>, vector<96x64xf32>, vector<96x64xf32>, vector<96x64xf32>, vector<96x64xf32>, vector<96x64xf32>, vector<96x64xf32>, vector<96x64xf32>, vector<96x64xf32>, vector<96x64xf32>, vector<96x64xf32>, vector<96x64xf32>, vector<96x64xf32>, vector<96x64xf32>, vector<96x64xf32>, vector<96x64xf32>, vector<96x64xf32>, vector<96x64xf32>, vector<96x64xf32>, vector<96x64xf32>, vector<96x64xf32>, vector<96x64xf32> -> vector<96x2048xf32>
    %slice3A_65 = vector.extract_strided_slice %concatenate3A {offsets = [0, 0], sizes = [96, 2000], strides = [1, 1]} : vector<96x2048xf32> to vector<96x2000xf32>
    %broadcast_in_dim3A = vector.shape_cast %slice3A_65 : vector<96x2000xf32> to vector<96x1x2000xf32>
    %broadcast_in_dim3A_66 = vector.shape_cast %broadcast_in_dim3A : vector<96x1x2000xf32> to vector<96x1x2000xf32>
    %broadcast_in_dim3A_67 = vector.broadcast %broadcast_in_dim3A_66 : vector<96x1x2000xf32> to vector<96x8x2000xf32>
    %swap3A = arith.constant 0 : index
    %swap3A_68 = arith.constant 0 : index
    %swap3A_69 = arith.constant 0 : index
    %swap3A_70 = vector.load %arg2[%swap3A, %swap3A_68, %swap3A_69] : memref<96x8x2000xf32, #tpu.memory_space<vmem>>, vector<96x8x2000xf32>
    tpu.vector_store %arg2[%swap3A, %swap3A_68, %swap3A_69], %broadcast_in_dim3A_67 {strides = array<i32>} : memref<96x8x2000xf32, #tpu.memory_space<vmem>>, vector<96x8x2000xf32>,
    return
  }
  func.func @transform_0(%arg0: i32) -> (i32, i32, i32) {
    %c0_i32 = arith.constant 0 : i32
    %c0_i32_0 = arith.constant 0 : i32
    %c0_i32_1 = arith.constant 0 : i32
    %c0_i32_2 = arith.constant 0 : i32
    return %c0_i32, %c0_i32_0, %c0_i32_1 : i32, i32, i32
  }
  func.func @transform_1(%arg0: i32) -> (i32, i32, i32) {
    %c0_i32 = arith.constant 0 : i32
    %c0_i32_0 = arith.constant 0 : i32
    %c0_i32_1 = arith.constant 0 : i32
    return %c0_i32, %arg0, %c0_i32_0 : i32, i32, i32
  }
}

module attributes {stable_mosaic.version = 14 : i64} {
  func.func @_repack_body(%arg0: i32, %arg1: memref<1x8x224x224xf32, #tpu.memory_space<vmem>>, %arg2: memref<229376xf32, #tpu.memory_space<vmem>>, %arg3: memref<229376xf32, #tpu.memory_space<vmem>>) attributes {dimension_semantics = [#tpu.dimension_semantics<arbitrary>], iteration_bounds = array<i64: 96>, scalar_prefetch = 0 : i64, scratch_operands = 0 : i64, tpu.core_type = #tpu.core_type<tc>, window_params = [{transform_indices = @transform_0, window_bounds = array<i64: 1, 8, 224, 224>}, {transform_indices = @transform_1, window_bounds = array<i64: 229376>}, {transform_indices = @transform_2, window_bounds = array<i64: 229376>}]} {
    %get3A = arith.constant 0 : index
    %get3A_0 = arith.constant 0 : index
    %get3A_1 = arith.constant 0 : index
    %get3A_2 = arith.constant 0 : index
    %get3A_3 = vector.load %arg1[%get3A, %get3A_0, %get3A_1, %get3A_2] : memref<1x8x224x224xf32, #tpu.memory_space<vmem>>, vector<1x8x224x224xf32>
    %get3A_4 = vector.shape_cast %get3A_3 : vector<1x8x224x224xf32> to vector<8x224x224xf32>
    %slice3A = vector.extract_strided_slice %get3A_4 {offsets = [0, 0, 0], sizes = [8, 224, 128], strides = [1, 1, 1]} : vector<8x224x224xf32> to vector<8x224x128xf32>
    %reshape3A = vector.shape_cast %slice3A : vector<8x224x128xf32> to vector<229376xf32>
    %swap3A = arith.constant 0 : index
    %swap3A_5 = vector.load %arg2[%swap3A] : memref<229376xf32, #tpu.memory_space<vmem>>, vector<229376xf32>
    tpu.vector_store %arg2[%swap3A], %reshape3A {strides = array<i32>} : memref<229376xf32, #tpu.memory_space<vmem>>, vector<229376xf32>,
    %slice3A_6 = vector.extract_strided_slice %get3A_4 {offsets = [0, 0, 96], sizes = [8, 224, 128], strides = [1, 1, 1]} : vector<8x224x224xf32> to vector<8x224x128xf32>
    %reshape3A_7 = vector.shape_cast %slice3A_6 : vector<8x224x128xf32> to vector<229376xf32>
    %swap3A_8 = arith.constant 0 : index
    %swap3A_9 = vector.load %arg3[%swap3A_8] : memref<229376xf32, #tpu.memory_space<vmem>>, vector<229376xf32>
    tpu.vector_store %arg3[%swap3A_8], %reshape3A_7 {strides = array<i32>} : memref<229376xf32, #tpu.memory_space<vmem>>, vector<229376xf32>,
    return
  }
  func.func @transform_0(%arg0: i32) -> (i32, i32, i32, i32) {
    %jit3A = arith.constant 12 : i32
    %div3A = arith.divsi %arg0, %jit3A : i32
    %sign3A = arith.constant 0 : i32
    %sign3A_0 = arith.cmpi sgt, %arg0, %sign3A : i32
    %sign3A_1 = arith.extui %sign3A_0 : i1 to i32
    %sign3A_2 = arith.constant 0 : i32
    %sign3A_3 = arith.cmpi slt, %arg0, %sign3A_2 : i32
    %sign3A_4 = arith.extui %sign3A_3 : i1 to i32
    %sign3A_5 = arith.subi %sign3A_1, %sign3A_4 : i32
    %sign3A_6 = arith.constant 0 : i32
    %sign3A_7 = arith.cmpi sgt, %jit3A, %sign3A_6 : i32
    %sign3A_8 = arith.extui %sign3A_7 : i1 to i32
    %sign3A_9 = arith.constant 0 : i32
    %sign3A_10 = arith.cmpi slt, %jit3A, %sign3A_9 : i32
    %sign3A_11 = arith.extui %sign3A_10 : i1 to i32
    %sign3A_12 = arith.subi %sign3A_8, %sign3A_11 : i32
    %ne3A = arith.cmpi ne, %sign3A_5, %sign3A_12 : i32
    %rem3A = arith.remsi %arg0, %jit3A : i32
    %ne3A_13 = arith.constant 0 : i32
    %ne3A_14 = arith.cmpi ne, %rem3A, %ne3A_13 : i32
    %and3A = arith.andi %ne3A, %ne3A_14 : i1
    %sub3A = arith.constant 1 : i32
    %sub3A_15 = arith.subi %div3A, %sub3A : i32
    %select_n3A = arith.select %and3A, %sub3A_15, %div3A : i32
    %jit3A_16 = arith.constant 12 : i32
    %eq3A = arith.constant 0 : i32
    %eq3A_17 = arith.cmpi eq, %jit3A_16, %eq3A : i32
    %jit3A_18 = arith.constant 1 : i32
    %select_n3A_19 = arith.select %eq3A_17, %jit3A_18, %jit3A_16 : i32
    %rem3A_20 = arith.remsi %arg0, %select_n3A_19 : i32
    %ne3A_21 = arith.constant 0 : i32
    %ne3A_22 = arith.cmpi ne, %rem3A_20, %ne3A_21 : i32
    %lt3A = arith.constant 0 : i32
    %lt3A_23 = arith.cmpi slt, %rem3A_20, %lt3A : i32
    %lt3A_24 = arith.constant 0 : i32
    %lt3A_25 = arith.cmpi slt, %select_n3A_19, %lt3A_24 : i32
    %ne3A_26 = arith.xori %lt3A_23, %lt3A_25 : i1
    %and3A_27 = arith.andi %ne3A_26, %ne3A_22 : i1
    %add3A = arith.addi %rem3A_20, %select_n3A_19 : i32
    %select_n3A_28 = arith.select %and3A_27, %add3A, %rem3A_20 : i32
    %c0_i32 = arith.constant 0 : i32
    %c0_i32_29 = arith.constant 0 : i32
    %c0_i32_30 = arith.constant 0 : i32
    return %select_n3A, %select_n3A_28, %c0_i32, %c0_i32_29 : i32, i32, i32, i32
  }
  func.func @transform_1(%arg0: i32) -> i32 {
    %c0_i32 = arith.constant 0 : i32
    return %arg0 : i32
  }
  func.func @transform_2(%arg0: i32) -> i32 {
    %c0_i32 = arith.constant 0 : i32
    return %arg0 : i32
  }
}

</mosaic_0001>

<sc_bundles>
// kernel: kernel.5.cloned.1.call-start
scs
__scs_entry_jumppad:
0x0: {  	(pc) =	sbr.rel $0x88, $3  }
0x1: {  	(tag) =	ssettag $0x0;
	lr =	simm.s32 $0x1  }
0x2: {  	[smem:$0x3F9E] =	sst lr;
	_ =	strace $0xD0000000  }
0x3: {  	_ = 	snop  }
0x4: {  	_ = 	snop  }
0x5: {  	_ = 	snop  }
0x6: {  	_ = 	snop  }
0x7: {  	_ = 	snop  }
__scs_overlays_trampoline_lowered:
0x8: {  	[smem:$0x3FAD] =	sst s0  }
0x9: {  	[smem:$0x3FAE] =	sst s1  }
0xa: {  	[smem:$0x3FAF] =	sst s2  }
0xb: {  	[smem:$0x3FB0] =	sst s3  }
0xc: {  	[smem:$0x3FB1] =	sst s4  }
0xd: {  	[smem:$0x3FB2] =	sst s5  }
0xe: {  	[smem:$0x3FB3] =	sst s6  }
0xf: {  	[smem:$0x3FB4] =	sst s7  }
0x10: {  	[smem:$0x3FB5] =	sst s8  }
0x11: {  	[smem:$0x3FB6] =	sst s9;
	s0 =	simm.s32 @!p0 $0x0  }
0x12: {  	s1 =	sld [smem:$0x3F9C];
	s0 =	simm.s32 @p0 $0x1  }
0x13: {  	[smem:$0x3FB7] =	sst s0;
	s0 =	simm.s32 @!p1 $0x0  }
0x14: {  	s2 =	sld [smem:$0x3F9B];
	s0 =	simm.s32 @p1 $0x1  }
0x15: {  	[smem:$0x3FB8] =	sst s0;
	s0 =	simm.s32 @!p2 $0x0  }
0x16: {  	s3 =	sld [smem:$0x3FDB];
	s0 =	simm.s32 @p2 $0x1  }
0x17: {  	s4 =	simm.s32 $0x1BF5;
	[smem:$0x3FBA] =	sst s0  }
0x18: {  	s0 =	sld [smem:$0x3F9D];
	_ =	swait.ge [sflag:s4], $0x0  }
0x19: {  	s7 =	sld [smem:$0x3F9E]  }
0x1a: {  	s8 =	sadd.s32 $0xFFFFE003, lr  }
0x1b: {  	s9 =	sadd.s32 $0xFFFFFEF7, lr;
	s5 =	simm.s32 $0xFFFFFFFF;
	p2 =	slt.u32 s8, $0xFFFFF086  }
0x1c: {  	p1 =	slt.u32 s9, $0xF7A;
	s5 =	simm.s32 @!p2 $0x0  }
0x1d: {  	s5 =	simm.s32 @p1 $0x1;
	p0 =	seq.s32 s7, s2  }
0x1e: {  	s7 =	smul.u32 @!p0 $0xF7A, s2;
	p2 =	seq.s32 @!p0 s5, $0x0  }
0x1f: {  	s9 =	smul.u32 $0xF7A, s1;
	s8 =	simm.s32 @!p0 $0x1BF5;
	p2 =	por !p2, p0  }
0x20: {  	[sflag:s8] =	ssyncset.s32 @!p0 $0xFFFFF086;
	s6 =	sadd.s32 @!p0 s3, s7;
	s7 =	simm.s32 @!p0 $0x108  }
0x21: {  	s3 =	sadd.s32 s3, s9;
	s6 =	sadd.s32 @!p0 $0x88, s6;
	s7 =	simm.s32 @p2 $0x1082  }
0x22: {  	[simem:s7], [sflag:s8] =	dma.local @!p0 [hbm:s6], $0xF7A  }
0x23: {  	s9 =	sor.u32 $0xD0000000, s2;
	s6 =	simm.s32 $0x108;
	_ =	swait.ge @!p0 [sflag:s8], $0x0  }
0x24: {  	s3 =	sadd.s32 $0x88, s3;
	s6 =	simm.s32 @!p1 $0x1082;
	[sflag:s4] =	ssyncset.s32 $0xFFFFF086  }
0x25: {  	[simem:s6], [sflag:s4] =	dma.local [hbm:s3], $0xF7A  }
0x26: {  	[smem:$0x3F9E] =	sst s1;
	(tag) =	ssettag s2;
	_ =	strace s9  }
0x27: {  	s1 =	sld [smem:$0x3FAE]  }
0x28: {  	s2 =	sld [smem:$0x3FAF]  }
0x29: {  	s4 =	sld [smem:$0x3FB1]  }
0x2a: {  	p0 =	seq.s32 s5, $0x0;
	s5 =	sld [smem:$0x3FB2]  }
0x2b: {  	s6 =	sld [smem:$0x3FB3]  }
0x2c: {  	s7 =	sld [smem:$0x3FB4]  }
0x2d: {  	s3 =	simm.s32 $0x108;
	s8 =	sld [smem:$0x3FB5]  }
0x2e: {  	s3 =	simm.s32 @!p0 $0x1082;
	s9 =	sld [smem:$0x3FB6]  }
0x2f: {  	lr =	sadd.s32 s0, s3;
	s0 =	sld [smem:$0x3FAD]  }
0x30: {  	s3 =	sld [smem:$0x3FB0]  }
0x31: {  	[smem:$0x3FB9] =	sst s10  }
0x32: {  	s10 =	sld [smem:$0x3FB7];
	_ =	sdelay $0x3  }
0x33: {  	p0 =	seq.s32 s10, $0x1;
	s10 =	sld [smem:$0x3FB9];
	_ =	sdelay $0x3  }
0x34: {  	[smem:$0x3FB9] =	sst s10  }
0x35: {  	s10 =	sld [smem:$0x3FB8];
	_ =	sdelay $0x3  }
0x36: {  	p1 =	seq.s32 s10, $0x1;
	s10 =	sld [smem:$0x3FB9];
	_ =	sdelay $0x3  }
0x37: {  	[smem:$0x3FB9] =	sst s10  }
0x38: {  	s10 =	sld [smem:$0x3FBA]  }
0x39: {  	_ = 	snop;
	(pc) =	sbr.ind lr, $3  }
0x3a: {  	_ = 	snop  }
0x3b: {  	_ = 	snop  }
0x3c: {  	p2 =	seq.s32 s10, $0x1;
	s10 =	sld [smem:$0x3FB9]  }
0x3d: {  	_ =	shalt  }
0x3e: {  	_ =	shalt  }
0x3f: {  	_ =	shalt  }
0x40: {  	_ =	shalt  }
0x41: {  	_ =	shalt  }
0x42: {  	_ =	shalt  }
0x43: {  	_ =	shalt  }
0x44: {  	_ =	shalt  }
0x45: {  	_ =	shalt  }
0x46: {  	_ =	shalt  }
0x47: {  	_ =	shalt  }
0x48: {  	_ =	shalt  }
0x49: {  	_ =	shalt  }
0x4a: {  	_ =	shalt  }
0x4b: {  	_ =	shalt  }
0x4c: {  	_ =	shalt  }
0x4d: {  	_ =	shalt  }
0x4e: {  	_ =	shalt  }
0x4f: {  	_ =	shalt  }
0x50: {  	_ =	shalt  }
0x51: {  	_ =	shalt  }
0x52: {  	_ =	shalt  }
0x53: {  	_ =	shalt  }
0x54: {  	_ =	shalt  }
0x55: {  	_ =	shalt  }
0x56: {  	_ =	shalt  }
0x57: {  	_ =	shalt  }
0x58: {  	_ =	shalt  }
0x59: {  	_ =	shalt  }
0x5a: {  	_ =	shalt  }
0x5b: {  	_ =	shalt  }
0x5c: {  	_ =	shalt  }
0x5d: {  	_ =	shalt  }
0x5e: {  	_ =	shalt  }
0x5f: {  	_ =	shalt  }
0x60: {  	_ =	shalt  }
0x61: {  	_ =	shalt  }
0x62: {  	_ =	shalt  }
0x63: {  	_ =	shalt  }
0x64: {  	_ =	shalt  }
0x65: {  	_ =	shalt  }
0x66: {  	_ =	shalt  }
0x67: {  	_ =	shalt  }
0x68: {  	_ =	shalt  }
0x69: {  	_ =	shalt  }
0x6a: {  	_ =	shalt  }
0x6b: {  	_ =	shalt  }
0x6c: {  	_ =	shalt  }
0x6d: {  	_ =	shalt  }
0x6e: {  	_ =	shalt  }
0x6f: {  	_ =	shalt  }
0x70: {  	_ =	shalt  }
0x71: {  	_ =	shalt  }
0x72: {  	_ =	shalt  }
0x73: {  	_ =	shalt  }
0x74: {  	_ =	shalt  }
0x75: {  	_ =	shalt  }
0x76: {  	_ =	shalt  }
0x77: {  	_ =	shalt  }
0x78: {  	_ =	shalt  }
0x79: {  	_ =	shalt  }
0x7a: {  	_ =	shalt  }
0x7b: {  	_ =	shalt  }
0x7c: {  	_ =	shalt  }
0x7d: {  	_ =	shalt  }
0x7e: {  	_ =	shalt  }
0x7f: {  	_ =	shalt  }
0x80: {  	_ =	shalt  }
0x81: {  	_ =	shalt  }
0x82: {  	_ =	shalt  }
0x83: {  	_ =	shalt  }
0x84: {  	_ =	shalt  }
0x85: {  	_ =	shalt  }
0x86: {  	_ =	shalt  }
0x87: {  	_ =	shalt  }
.Lfunc_end0:
.L_simem_size_0:
called_computation_lowered:
.L_overlay_start_0:
0x88: {  	s2 =	sld [smem:$0x3FD9]  }
0x89: {  	s3 =	sld [smem:$0x3FFE];
	_ =	sdelay $0x1  }
0x8a: {  	s1 =	srdreg.scid  }
0x8b: {  	s0 =	sand.u32 $0x1, s1  }
0x8c: {  	s17 =	sshll.u32 s0, $0xA;
	s2 =	sadd.s32 s3, s2  }
0x8d: {  	s2 =	sadd.s32 s2, s17  }
0x8e: {  	[smem:$0x3FC5] =	sst s2  }
0x8f: {  	_ = 	snop  }
0x90: {  	s2 =	sld [smem:$0x3FD0];
	(tm) =	ssettm $0x1  }
0x91: {  	s18 =	sld [smem:$0x3FFB];
	_ =	sdelay $0x3  }
0x92: {  	_ =	strace s18  }
0x93: {  	s3 =	sld [smem:$0x3FFC];
	_ =	sdelay $0x3  }
0x94: {  	_ =	strace s3  }
0x95: {  	s3 =	sld [smem:$0x3FFD];
	_ =	sdelay $0x3  }
0x96: {  	_ =	strace s3  }
0x97: {  	_ =	strace $0x8FFFFFFF  }
0x98: {  	s19 =	sld [smem:$0x3FDB];
	_ =	sdelay $0x1  }
0x99: {  	s4 =	simm.s32 $_scs_section_size  }
0x9a: {  	s5 =	simm.s32 $_size__tile_overlayer_lowered;
	s6 =	simm.s32 $_tile_overlayer_lowered  }
0x9b: {  	s22 =	simm.s32 $0x1BFF;
	s21 =	sshll.u32 s6, $0x1;
	s3 =	sadd.s32 s4, s19  }
0x9c: {  	s7 =	simm.s32 $0x0;
	s20 =	sshll.u32 s5, $0x1;
	s5 =	sadd.s32 s21, s3  }
0x9d: {  	[timem:s7], [sflag:s22] =	dma.local [hbm:s5], s20  }
0x9e: {  	_ =	swait.ge [sflag:s22], s20  }
0x9f: {  	s4 =	ssub.s32 $0x0, s20;
	[sflag:s22] =	ssyncset.done $0x0  }
0xa0: {  	[sflag:s22] =	ssyncadd.s32 s4;
	_ =	sdelay $0x1  }
0xa1: {  	s23 =	simm.s32 $0x1B8B  }
0xa2: {  	_ =	swait.ge [sflag:s23], $0x1  }
0xa3: {  	[sflag:s23] =	ssyncset.done $0x0  }
0xa4: {  	s25 =	simm.s32 $0x1B8E;
	s24 =	sld [smem:$0x3FFE];
	[sflag:s23] =	ssyncadd.s32 $0xFFFFFFFF  }
0xa5: {  	s26 =	simm.s32 $execute0_lowered;
	[smem:$0x3FD2] =	sst s25  }
0xa6: {  	s5 =	sshll.u32 s26, $0x1;
	_ =	strace $0x80000046;
	[dreg:$0x1] =	wrdreg $0xFFFFFFFF  }
0xa7: {  	s28 =	simm.s32 $_size_execute0_lowered;
	s3 =	sadd.s32 s3, s5;
	[dreg:$0x0] =	wrdreg $0x0  }
0xa8: {  	s5 =	sshll.u32 s28, $0x1;
	[dreg:$0x2] =	wrdreg s3  }
0xa9: {  	[dreg:$0x3] =	wrdreg s5  }
0xaa: {  	[dreg:$0x4] =	wrdreg $0xC0  }
0xab: {  	_ =	task [dreg:s7], $0x5FFFF  }
0xac: {  	[dreg:$0x1] =	wrdreg $0xFFFFFFFF  }
0xad: {  	[dreg:$0x0] =	wrdreg $0x60  }
0xae: {  	[dreg:$0x2] =	wrdreg s2  }
0xaf: {  	[dreg:$0x3] =	wrdreg s24  }
0xb0: {  	[dreg:$0x4] =	wrdreg $0x9  }
0xb1: {  	_ =	task.clear_ibuf [dreg:s7], $0x5FFFF;
	_ =	strace $0x90000046  }
0xb2: {  	s29 =	simm.s32 $0x9;
	_ =	strace $0x80000048  }
0xb3: {  	_ =	swait.ge [sflag:s29], $0x1  }
0xb4: {  	[sflag:s29] =	ssyncadd.s32 $0xFFFFFFFF  }
0xb5: {  	_ =	strace $0x90000048  }
0xb6: {  	_ =	sfence  }
0xb7: {  	s30 =	sld [smem:$0x0];
	_ =	sdelay $0x2  }
0xb8: {  	s31 =	sshll.u32 s1, $0xD;
	s1 =	sshrl.u32 s1, $0x2  }
0xb9: {  	s3 =	sand.u32 $0x4000, s31;
	s1 =	sadd.s32 s1, s30  }
0xba: {  	s0 =	sor.u32 s3, s0;
	s1 =	sshll.u32 s1, $0x11  }
0xbb: {  	s0 =	sor.u32 s1, s0  }
0xbc: {  	s0 =	sadd.s32 $0x8F2B, s0  }
0xbd: {  	[sflag:s0] =	ssyncadd.remote.s32 $0x1  }
0xbe: {  	_ =	sfence.sel $0xFFFF  }
0xbf: {  	[dreg:$0x0] =	wrdreg $0xFFFFFFFF;
	(pc) =	sbr.abs _section_cstart, $3  }
0xc0: {  	[dreg:$0x1] =	wrdreg $0xFFFFFFFF  }
0xc1: {  	_ =	task.clear_ibuf [dreg:s7], $0x2FFFF;
	_ =	strace $0x9FFFFFFF  }
0xc2: {  	(tm) =	ssettm $0x7FFFFFFF  }
0xc3: {  	_ =	shalt  }
tec
execute0_lowered:
.L_overlay_start_1:
0x0: {  	(tag) =	ssettag $0x1  }
0x1: {  	s2 =	rddreg [dreg:$0x0]  }
0x2: {  	s5 =	rddreg [dreg:$0x1]  }
0x3: {  	s0 =	rddreg [dreg:$0x2];
	s4 =	srdreg.scid  }
0x4: {  	s1 =	stileid.u32;
	s3 =	simm.s32 $0x0;
	s12 =	simm.s32 $0x100  }
0x5: {  	s13 =	simm.s32 $0x40;
	s14 =	simm.s32 $0x1;
	s15 =	simm.s32 $0x9180  }
0x6: {  	s4 =	sand.u32 $0x1, s4;
	s6 =	sshll.u32 s1, $0x1;
	[smem:$0x7FF] =	sst s3  }
0x7: {  	s16 =	simm.s32 $0x0;
	s6 =	sor.u32 s4, s6;
	_ =	strace $0x80000047  }
0x8: {  	s8 =	ssub.s32 $0x2, s4;
	s7 =	smul.u32 $0x600, s6;
	s6 =	sshll.u32 s6, $0x3  }
0x9: {  	s4 =	sadd.s32 $0x1000, s5;
	s9 =	sshrl.u32 s8, $0x1;
	s10 =	sadd.s32 s6, s5  }
0xa: {  	s9 =	ssub.s32 s8, s9;
	s11 =	sadd.s32 s7, s5;
	s5 =	sadd.s32 $0xA00, s10  }
0xb: {  	s6 =	sadd.s32 $0xE00, s10;
	s7 =	sadd.s32 $0xC00, s10;
	s9 =	smax.u32 s9, $0x1  }
0xc: {  	s10 =	simm.s32 $0x2;
	s8 =	sadd.s32 $0x2A1000, s11;
	s11 =	simm.s32 $0x80  }
.LBB2_1:
0xd: {  	[tilespmem:s3], [sflag:$0x2] =	stream.linear.gather [hbm4b:s5+s3], $0x40, $0x38;
	[tilespmem:$0xC180] =	vst v63  }
0xe: {  	_ =	swait.ge [sflag:s10], $0x40  }
0xf: {  	[sflag:s10] =	ssyncset.done $0x0  }
0x10: {  	[sflag:s10] =	ssyncadd.s32 $0xFFFFFFC0  }
0x11: {  	[tilespmem:s11], [sflag:$0x2] =	stream.linear.gather [hbm4b:s6+s3], $0x40, $0x38;
	[tilespmem:$0xC180] =	vst v63  }
0x12: {  	_ =	swait.ge [sflag:s10], $0x40  }
0x13: {  	[sflag:s10] =	ssyncset.done $0x0  }
0x14: {  	[sflag:s10] =	ssyncadd.s32 $0xFFFFFFC0  }
0x15: {  	[tilespmem:s12], [sflag:$0x2] =	stream.linear.gather [hbm4b:s7+s3], $0x40, $0x38;
	[tilespmem:$0xC180] =	vst v63  }
0x16: {  	_ =	swait.ge [sflag:s10], $0x40  }
0x17: {  	[sflag:s10] =	ssyncset.done $0x0  }
0x18: {  	[sflag:s10] =	ssyncadd.s32 $0xFFFFFFC0  }
0x19: {  	v2 =	vld [tilespmem:$0x0]  }
0x1a: {  	v0 =	vld [tilespmem:$0x100]  }
0x1b: {  	v3 =	vld [tilespmem:$0x80]  }
0x1c: {  	v1 =	vld [tilespmem:$0x110]  }
0x1d: {  	v4 =	vld [tilespmem:$0x10]  }
0x1e: {  	v5 =	vld [tilespmem:$0x90]  }
0x1f: {  	v6 =	vld [tilespmem:$0x20]  }
0x20: {  	v10 =	vld [tilespmem:$0x30]  }
0x21: {  	v2 =	vmul.u32 $0x5400, v2  }
0x22: {  	vm0 =	vlt.s32 v0, $0x7F;
	vm9 =	vgt.s32 v0, $0x60  }
0x23: {  	v9 =	vmul.u32 $0x5400, v4;
	vm10 =	vlt.s32 v1, $0x7F;
	v3 =	vadd.s32 v3, v2;
	v2 =	vld [tilespmem:$0x120]  }
0x24: {  	v6 =	vmul.u32 $0x5400, v6;
	vm12 =	vgt.s32 v1, $0x60;
	v7 =	vshll.u32 v3, $0x7;
	v3 =	vld [tilespmem:$0xA0]  }
0x25: {  	v10 =	vmul.u32 $0x5400, v10;
	v8 =	vnsel vm0, $0x7F, v0;
	v5 =	vadd.s32 v5, v9;
	v9 =	vld [tilespmem:$0xB0]  }
0x26: {  	v14 =	vnsel vm12, $0x60, v1;
	v4 =	vadd.s32 v8, v7;
	v8 =	vnsel vm9, $0x60, v0  }
0x27: {  	v11 =	vshll.u32 v5, $0x7;
	v5 =	vnsel vm10, $0x7F, v1;
	v7 =	vadd.s32 v7, v8  }
0x28: {  	v5 =	vadd.s32 v5, v11;
	v8 =	vadd.s32 s3, v4;
	v7 =	vadd.s32 $0xFFFFFFA0, v7  }
0x29: {  	vm11 =	vlt.s32 v2, $0x7F;
	vm13 =	vgt.s32 v2, $0x60;
	v6 =	vadd.s32 v3, v6;
	v3 =	vld [tilespmem:$0x130]  }
0x2a: {  	v9 =	vadd.s32 v9, v10;
	v10 =	vadd.s32 s3, v7;
	v12 =	vnsel vm11, $0x7F, v2  }
0x2b: {  	s17 =	simm.s32 $0x1A0;
	v15 =	vshll.u32 v9, $0x7;
	v9 =	vadd.s32 v11, v14;
	v13 =	vshll.u32 v6, $0x7  }
0x2c: {  	s18 =	simm.s32 $0x19A0;
	[tilespmem:s17+$0xFFFFFFE0] =	vst v8;
	v8 =	vadd.s32 $0xFFFFFFA0, v9;
	v6 =	vadd.s32 v12, v13;
	v12 =	vnsel vm13, $0x60, v2  }
0x2d: {  	p0 =	por $0x0, $0x0;
	[tilespmem:s18+$0xFFFFFFE0] =	vst v10;
	v9 =	vadd.s32 s3, v5;
	v10 =	vadd.s32 v13, v12;
	v12 =	vadd.s32 s3, v8  }
.Ltmp0:
0x2e: {  	[tilespmem:s17+$0xFFFFFFF0] =	vst v9;
	v9 =	vadd.s32 $0xFFFFFFA0, v10;
	vm14 =	vlt.s32 v3, $0x7F;
	vm15 =	vgt.s32 v3, $0x60;
	(pc) =	sbr.rel @p0 .LBB2_3-.Ltmp0, $4  }
0x2f: {  	[tilespmem:s18+$0xFFFFFFF0] =	vst v12;
	v12 =	vadd.s32 s3, v6;
	v11 =	vnsel vm14, $0x7F, v3;
	v13 =	vnsel vm15, $0x60, v3  }
0x30: {  	[tilespmem:s17+$0x0] =	vst v12;
	v12 =	vadd.s32 s3, v9;
	v10 =	vadd.s32 v11, v15;
	v11 =	vadd.s32 v15, v13  }
0x31: {  	[tilespmem:s18+$0x0] =	vst v12;
	v11 =	vadd.s32 $0xFFFFFFA0, v11;
	v12 =	vadd.s32 s3, v10  }
0x32: {  	s19 =	simm.s32 $0x7000;
	[tilespmem:s17+$0x10] =	vst v12;
	v12 =	vadd.s32 s3, v11  }
.LBB2_2:
0x33: {  	v13 =	vadd.s32 s19, v4;
	p0 =	seq.s32 s19, $0x299000;
	[tilespmem:s18+$0x10] =	vst v12;
	s17 =	sadd.s32 $0x40, s17  }
0x34: {  	v12 =	vadd.s32 s19, v7;
	s18 =	sadd.s32 $0x40, s18;
	[tilespmem:s17+$0xFFFFFFE0] =	vst v13  }
0x35: {  	[tilespmem:s18+$0xFFFFFFE0] =	vst v12;
	v12 =	vadd.s32 s19, v5  }
.Ltmp1:
0x36: {  	[tilespmem:s17+$0xFFFFFFF0] =	vst v12;
	v12 =	vadd.s32 s19, v8;
	(pc) =	sbr.rel @!p0 .LBB2_2-.Ltmp1, $4  }
0x37: {  	[tilespmem:s18+$0xFFFFFFF0] =	vst v12;
	v12 =	vadd.s32 s19, v6  }
0x38: {  	[tilespmem:s17+$0x0] =	vst v12;
	v12 =	vadd.s32 s19, v9  }
0x39: {  	[tilespmem:s18+$0x0] =	vst v12;
	v12 =	vadd.s32 s19, v10  }
0x3a: {  	[tilespmem:s17+$0x10] =	vst v12;
	v12 =	vadd.s32 s19, v11;
	s19 =	sadd.s32 $0x7000, s19  }
.LBB2_3:
0x3b: {  	[tilespmem:s18+$0x10] =	vst v12;
	s17 =	simm.s32 $0x3180;
	s24 =	simm.s32 $0x180  }
0x3c: {  	[tilespmem:s17], [sflag:$0x1] =	stream.indirect.gather [hbm4b:s2+s13], $0x1, s24, s13, $0xb8;
	[tilespmem:$0xC180] =	vst v63  }
0x3d: {  	s25 =	simm.s32 $0x6180;
	s26 =	simm.s32 $0x1980  }
0x3e: {  	[tilespmem:s25], [sflag:$0x1] =	stream.indirect.gather [hbm4b:s4+s13], $0x1, s26, s13, $0xb8;
	[tilespmem:$0xC180] =	vst v63  }
0x3f: {  	s28 =	simm.s32 $0x3200;
	s29 =	simm.s32 $0x1C0  }
0x40: {  	[tilespmem:s28], [sflag:$0x1] =	stream.indirect.gather [hbm4b:s2+s13], $0x1, s29, s13, $0xb8;
	[tilespmem:$0xC180] =	vst v63  }
0x41: {  	s30 =	simm.s32 $0x6200;
	s31 =	simm.s32 $0x19C0  }
0x42: {  	[tilespmem:s30], [sflag:$0x1] =	stream.indirect.gather [hbm4b:s4+s13], $0x1, s31, s13, $0xb8;
	[tilespmem:$0xC180] =	vst v63  }
0x43: {  	s19 =	simm.s32 $0x3280;
	s20 =	simm.s32 $0x200  }
0x44: {  	[tilespmem:s19], [sflag:$0x1] =	stream.indirect.gather [hbm4b:s2+s13], $0x1, s20, s13, $0xb8;
	[tilespmem:$0xC180] =	vst v63  }
0x45: {  	s21 =	simm.s32 $0x6280;
	s22 =	simm.s32 $0x1A00  }
0x46: {  	[tilespmem:s21], [sflag:$0x1] =	stream.indirect.gather [hbm4b:s4+s13], $0x1, s22, s13, $0xb8;
	[tilespmem:$0xC180] =	vst v63  }
0x47: {  	s23 =	simm.s32 $0x3300;
	s24 =	simm.s32 $0x240  }
0x48: {  	[tilespmem:s23], [sflag:$0x1] =	stream.indirect.gather [hbm4b:s2+s13], $0x1, s24, s13, $0xb8;
	[tilespmem:$0xC180] =	vst v63  }
0x49: {  	s25 =	simm.s32 $0x6300;
	s26 =	simm.s32 $0x1A40  }
0x4a: {  	[tilespmem:s25], [sflag:$0x1] =	stream.indirect.gather [hbm4b:s4+s13], $0x1, s26, s13, $0xb8;
	[tilespmem:$0xC180] =	vst v63  }
0x4b: {  	s28 =	simm.s32 $0x3380;
	s29 =	simm.s32 $0x280  }
0x4c: {  	[tilespmem:s28], [sflag:$0x1] =	stream.indirect.gather [hbm4b:s2+s13], $0x1, s29, s13, $0xb8;
	[tilespmem:$0xC180] =	vst v63  }
0x4d: {  	s30 =	simm.s32 $0x6380;
	s31 =	simm.s32 $0x1A80  }
0x4e: {  	[tilespmem:s30], [sflag:$0x1] =	stream.indirect.gather [hbm4b:s4+s13], $0x1, s31, s13, $0xb8;
	[tilespmem:$0xC180] =	vst v63  }
0x4f: {  	s19 =	simm.s32 $0x3400;
	s20 =	simm.s32 $0x2C0  }
0x50: {  	[tilespmem:s19], [sflag:$0x1] =	stream.indirect.gather [hbm4b:s2+s13], $0x1, s20, s13, $0xb8;
	[tilespmem:$0xC180] =	vst v63  }
0x51: {  	s21 =	simm.s32 $0x6400;
	s22 =	simm.s32 $0x1AC0  }
0x52: {  	[tilespmem:s21], [sflag:$0x1] =	stream.indirect.gather [hbm4b:s4+s13], $0x1, s22, s13, $0xb8;
	[tilespmem:$0xC180] =	vst v63  }
0x53: {  	s23 =	simm.s32 $0x3480;
	s24 =	simm.s32 $0x300  }
0x54: {  	[tilespmem:s23], [sflag:$0x1] =	stream.indirect.gather [hbm4b:s2+s13], $0x1, s24, s13, $0xb8;
	[tilespmem:$0xC180] =	vst v63  }
0x55: {  	s25 =	simm.s32 $0x6480;
	s26 =	simm.s32 $0x1B00  }
0x56: {  	[tilespmem:s25], [sflag:$0x1] =	stream.indirect.gather [hbm4b:s4+s13], $0x1, s26, s13, $0xb8;
	[tilespmem:$0xC180] =	vst v63  }
0x57: {  	s28 =	simm.s32 $0x3500;
	s29 =	simm.s32 $0x340  }
0x58: {  	[tilespmem:s28], [sflag:$0x1] =	stream.indirect.gather [hbm4b:s2+s13], $0x1, s29, s13, $0xb8;
	[tilespmem:$0xC180] =	vst v63  }
0x59: {  	s30 =	simm.s32 $0x6500;
	s31 =	simm.s32 $0x1B40  }
0x5a: {  	[tilespmem:s30], [sflag:$0x1] =	stream.indirect.gather [hbm4b:s4+s13], $0x1, s31, s13, $0xb8;
	[tilespmem:$0xC180] =	vst v63  }
0x5b: {  	_ =	swait.ge [sflag:s14], $0x40  }
0x5c: {  	[sflag:s14] =	ssyncset.done $0x0  }
0x5d: {  	[sflag:s14] =	ssyncadd.s32 $0xFFFFFFC0  }
0x5e: {  	_ =	swait.ge [sflag:s14], $0x40  }
0x5f: {  	[sflag:s14] =	ssyncset.done $0x0  }
0x60: {  	[sflag:s14] =	ssyncadd.s32 $0xFFFFFFC0  }
0x61: {  	_ =	swait.ge [sflag:s14], $0x40  }
0x62: {  	[sflag:s14] =	ssyncset.done $0x0  }
0x63: {  	[sflag:s14] =	ssyncadd.s32 $0xFFFFFFC0  }
0x64: {  	_ =	swait.ge [sflag:s14], $0x40  }
0x65: {  	[sflag:s14] =	ssyncset.done $0x0  }
0x66: {  	[sflag:s14] =	ssyncadd.s32 $0xFFFFFFC0  }
0x67: {  	_ =	swait.ge [sflag:s14], $0x40  }
0x68: {  	[sflag:s14] =	ssyncset.done $0x0  }
0x69: {  	[sflag:s14] =	ssyncadd.s32 $0xFFFFFFC0  }
0x6a: {  	_ =	swait.ge [sflag:s14], $0x40  }
0x6b: {  	[sflag:s14] =	ssyncset.done $0x0  }
0x6c: {  	[sflag:s14] =	ssyncadd.s32 $0xFFFFFFC0  }
0x6d: {  	_ =	swait.ge [sflag:s14], $0x40  }
0x6e: {  	[sflag:s14] =	ssyncset.done $0x0  }
0x6f: {  	[sflag:s14] =	ssyncadd.s32 $0xFFFFFFC0  }
0x70: {  	_ =	swait.ge [sflag:s14], $0x40  }
0x71: {  	[sflag:s14] =	ssyncset.done $0x0  }
0x72: {  	[sflag:s14] =	ssyncadd.s32 $0xFFFFFFC0  }
0x73: {  	_ =	swait.ge [sflag:s14], $0x40  }
0x74: {  	[sflag:s14] =	ssyncset.done $0x0  }
0x75: {  	[sflag:s14] =	ssyncadd.s32 $0xFFFFFFC0  }
0x76: {  	_ =	swait.ge [sflag:s14], $0x40  }
0x77: {  	[sflag:s14] =	ssyncset.done $0x0  }
0x78: {  	[sflag:s14] =	ssyncadd.s32 $0xFFFFFFC0  }
0x79: {  	_ =	swait.ge [sflag:s14], $0x40  }
0x7a: {  	[sflag:s14] =	ssyncset.done $0x0  }
0x7b: {  	[sflag:s14] =	ssyncadd.s32 $0xFFFFFFC0  }
0x7c: {  	_ =	swait.ge [sflag:s14], $0x40  }
0x7d: {  	[sflag:s14] =	ssyncset.done $0x0  }
0x7e: {  	[sflag:s14] =	ssyncadd.s32 $0xFFFFFFC0  }
0x7f: {  	_ =	swait.ge [sflag:s14], $0x40  }
0x80: {  	[sflag:s14] =	ssyncset.done $0x0  }
0x81: {  	[sflag:s14] =	ssyncadd.s32 $0xFFFFFFC0  }
0x82: {  	_ =	swait.ge [sflag:s14], $0x40  }
0x83: {  	[sflag:s14] =	ssyncset.done $0x0  }
0x84: {  	[sflag:s14] =	ssyncadd.s32 $0xFFFFFFC0  }
0x85: {  	_ =	swait.ge [sflag:s14], $0x40  }
0x86: {  	[sflag:s14] =	ssyncset.done $0x0  }
0x87: {  	[sflag:s14] =	ssyncadd.s32 $0xFFFFFFC0  }
0x88: {  	s17 =	simm.s32 $0x800;
	s20 =	simm.s32 $0x400;
	_ =	swait.ge [sflag:s14], $0x40  }
0x89: {  	s22 =	simm.s32 $0x2000;
	s21 =	simm.s32 $0x200;
	[sflag:s14] =	ssyncset.done $0x0  }
.LBB2_4:
0x8a: {  	s19 =	sadd.s32 $0x3180, s20  }
0x8b: {  	s23 =	sadd.s32 $0x180, s21;
	[sflag:s14] =	ssyncadd.s32 $0xFFFFFFC0;
	s18 =	smov.u32 s22  }
0x8c: {  	[tilespmem:s19], [sflag:$0x1] =	stream.indirect.gather [hbm4b:s2+s13], $0x1, s23, s13, $0xb8;
	[tilespmem:$0xC180] =	vst v63  }
0x8d: {  	s24 =	sadd.s32 $0x1980, s21;
	s19 =	sadd.s32 $0x1000, s22;
	s23 =	sadd.s32 $0x6180, s20  }
0x8e: {  	[tilespmem:s23], [sflag:$0x1] =	stream.indirect.gather [hbm4b:s4+s13], $0x1, s24, s13, $0xb8;
	[tilespmem:$0xC180] =	vst v63  }
0x8f: {  	p0 =	seq.s32 s22, $0xB000;
	s22 =	sadd.s32 $0x3200, s20;
	s23 =	sadd.s32 $0x1C0, s21  }
0x90: {  	[tilespmem:s22], [sflag:$0x1] =	stream.indirect.gather [hbm4b:s2+s13], $0x1, s23, s13, $0xb8;
	[tilespmem:$0xC180] =	vst v63  }
0x91: {  	s22 =	sadd.s32 $0x6200, s20;
	s23 =	sadd.s32 $0x19C0, s21  }
0x92: {  	[tilespmem:s22], [sflag:$0x1] =	stream.indirect.gather [hbm4b:s4+s13], $0x1, s23, s13, $0xb8;
	[tilespmem:$0xC180] =	vst v63  }
0x93: {  	s22 =	sadd.s32 $0x3280, s20;
	s23 =	sadd.s32 $0x200, s21  }
0x94: {  	[tilespmem:s22], [sflag:$0x1] =	stream.indirect.gather [hbm4b:s2+s13], $0x1, s23, s13, $0xb8;
	[tilespmem:$0xC180] =	vst v63  }
0x95: {  	s22 =	sadd.s32 $0x6280, s20;
	s23 =	sadd.s32 $0x1A00, s21  }
0x96: {  	[tilespmem:s22], [sflag:$0x1] =	stream.indirect.gather [hbm4b:s4+s13], $0x1, s23, s13, $0xb8;
	[tilespmem:$0xC180] =	vst v63  }
0x97: {  	s22 =	sadd.s32 $0x3300, s20;
	s23 =	sadd.s32 $0x240, s21  }
0x98: {  	[tilespmem:s22], [sflag:$0x1] =	stream.indirect.gather [hbm4b:s2+s13], $0x1, s23, s13, $0xb8;
	[tilespmem:$0xC180] =	vst v63  }
0x99: {  	s22 =	sadd.s32 $0x6300, s20;
	s23 =	sadd.s32 $0x1A40, s21  }
0x9a: {  	[tilespmem:s22], [sflag:$0x1] =	stream.indirect.gather [hbm4b:s4+s13], $0x1, s23, s13, $0xb8;
	[tilespmem:$0xC180] =	vst v63  }
0x9b: {  	s22 =	sadd.s32 $0x3380, s20;
	s23 =	sadd.s32 $0x280, s21  }
0x9c: {  	[tilespmem:s22], [sflag:$0x1] =	stream.indirect.gather [hbm4b:s2+s13], $0x1, s23, s13, $0xb8;
	[tilespmem:$0xC180] =	vst v63  }
0x9d: {  	s22 =	sadd.s32 $0x6380, s20;
	s23 =	sadd.s32 $0x1A80, s21  }
0x9e: {  	[tilespmem:s22], [sflag:$0x1] =	stream.indirect.gather [hbm4b:s4+s13], $0x1, s23, s13, $0xb8;
	[tilespmem:$0xC180] =	vst v63  }
0x9f: {  	s22 =	sadd.s32 $0x3400, s20;
	s23 =	sadd.s32 $0x2C0, s21  }
0xa0: {  	[tilespmem:s22], [sflag:$0x1] =	stream.indirect.gather [hbm4b:s2+s13], $0x1, s23, s13, $0xb8;
	[tilespmem:$0xC180] =	vst v63  }
0xa1: {  	s22 =	sadd.s32 $0x6400, s20;
	s23 =	sadd.s32 $0x1AC0, s21  }
0xa2: {  	[tilespmem:s22], [sflag:$0x1] =	stream.indirect.gather [hbm4b:s4+s13], $0x1, s23, s13, $0xb8;
	[tilespmem:$0xC180] =	vst v63  }
0xa3: {  	s22 =	sadd.s32 $0x3480, s20;
	s23 =	sadd.s32 $0x300, s21  }
0xa4: {  	[tilespmem:s22], [sflag:$0x1] =	stream.indirect.gather [hbm4b:s2+s13], $0x1, s23, s13, $0xb8;
	[tilespmem:$0xC180] =	vst v63  }
0xa5: {  	s22 =	sadd.s32 $0x6480, s20;
	s23 =	sadd.s32 $0x1B00, s21  }
0xa6: {  	[tilespmem:s22], [sflag:$0x1] =	stream.indirect.gather [hbm4b:s4+s13], $0x1, s23, s13, $0xb8;
	[tilespmem:$0xC180] =	vst v63  }
0xa7: {  	s22 =	sadd.s32 $0x3500, s20;
	s23 =	sadd.s32 $0x340, s21  }
0xa8: {  	[tilespmem:s22], [sflag:$0x1] =	stream.indirect.gather [hbm4b:s2+s13], $0x1, s23, s13, $0xb8;
	[tilespmem:$0xC180] =	vst v63  }
0xa9: {  	s20 =	sadd.s32 $0x6500, s20;
	s21 =	sadd.s32 $0x1B40, s21  }
0xaa: {  	[tilespmem:s20], [sflag:$0x1] =	stream.indirect.gather [hbm4b:s4+s13], $0x1, s21, s13, $0xb8;
	[tilespmem:$0xC180] =	vst v63  }
0xab: {  	_ =	swait.ge [sflag:s14], $0x40  }
0xac: {  	[sflag:s14] =	ssyncset.done $0x0  }
0xad: {  	[sflag:s14] =	ssyncadd.s32 $0xFFFFFFC0  }
0xae: {  	_ =	swait.ge [sflag:s14], $0x40  }
0xaf: {  	[sflag:s14] =	ssyncset.done $0x0  }
0xb0: {  	[sflag:s14] =	ssyncadd.s32 $0xFFFFFFC0  }
0xb1: {  	_ =	swait.ge [sflag:s14], $0x40  }
0xb2: {  	[sflag:s14] =	ssyncset.done $0x0  }
0xb3: {  	[sflag:s14] =	ssyncadd.s32 $0xFFFFFFC0  }
0xb4: {  	_ =	swait.ge [sflag:s14], $0x40  }
0xb5: {  	[sflag:s14] =	ssyncset.done $0x0  }
0xb6: {  	[sflag:s14] =	ssyncadd.s32 $0xFFFFFFC0  }
0xb7: {  	_ =	swait.ge [sflag:s14], $0x40  }
0xb8: {  	[sflag:s14] =	ssyncset.done $0x0  }
0xb9: {  	[sflag:s14] =	ssyncadd.s32 $0xFFFFFFC0  }
0xba: {  	_ =	swait.ge [sflag:s14], $0x40  }
0xbb: {  	[sflag:s14] =	ssyncset.done $0x0  }
0xbc: {  	[sflag:s14] =	ssyncadd.s32 $0xFFFFFFC0  }
0xbd: {  	_ =	swait.ge [sflag:s14], $0x40  }
0xbe: {  	[sflag:s14] =	ssyncset.done $0x0  }
0xbf: {  	[sflag:s14] =	ssyncadd.s32 $0xFFFFFFC0  }
0xc0: {  	_ =	swait.ge [sflag:s14], $0x40  }
0xc1: {  	[sflag:s14] =	ssyncset.done $0x0  }
0xc2: {  	[sflag:s14] =	ssyncadd.s32 $0xFFFFFFC0  }
0xc3: {  	_ =	swait.ge [sflag:s14], $0x40  }
0xc4: {  	[sflag:s14] =	ssyncset.done $0x0  }
0xc5: {  	[sflag:s14] =	ssyncadd.s32 $0xFFFFFFC0  }
0xc6: {  	_ =	swait.ge [sflag:s14], $0x40  }
0xc7: {  	[sflag:s14] =	ssyncset.done $0x0  }
0xc8: {  	[sflag:s14] =	ssyncadd.s32 $0xFFFFFFC0  }
0xc9: {  	_ =	swait.ge [sflag:s14], $0x40  }
0xca: {  	[sflag:s14] =	ssyncset.done $0x0  }
0xcb: {  	[sflag:s14] =	ssyncadd.s32 $0xFFFFFFC0  }
0xcc: {  	_ =	swait.ge [sflag:s14], $0x40  }
0xcd: {  	[sflag:s14] =	ssyncset.done $0x0  }
0xce: {  	[sflag:s14] =	ssyncadd.s32 $0xFFFFFFC0  }
0xcf: {  	_ =	swait.ge [sflag:s14], $0x40  }
0xd0: {  	[sflag:s14] =	ssyncset.done $0x0  }
0xd1: {  	[sflag:s14] =	ssyncadd.s32 $0xFFFFFFC0  }
0xd2: {  	_ =	swait.ge [sflag:s14], $0x40  }
0xd3: {  	[sflag:s14] =	ssyncset.done $0x0  }
0xd4: {  	[sflag:s14] =	ssyncadd.s32 $0xFFFFFFC0  }
.Ltmp2:
0xd5: {  	_ =	swait.ge [sflag:s14], $0x40;
	(pc) =	sbr.rel @!p0 .LBB2_4-.Ltmp2, $4  }
0xd6: {  	[sflag:s14] =	ssyncset.done $0x0  }
0xd7: {  	[sflag:s14] =	ssyncadd.s32 $0xFFFFFFC0  }
0xd8: {  	s17 =	sadd.s32 $0x800, s17;
	s22 =	smov.u32 s19;
	_ =	swait.ge [sflag:s14], $0x40  }
0xd9: {  	s20 =	sshra.s32 s18, $0x2;
	s21 =	sshra.s32 s17, $0x2;
	[sflag:s14] =	ssyncset.done $0x0  }
0xda: {  	s17 =	sadd.s32 $0x3180, s20;
	s18 =	sadd.s32 $0x180, s21;
	[sflag:s14] =	ssyncadd.s32 $0xFFFFFFC0  }
0xdb: {  	[tilespmem:s17], [sflag:$0x1] =	stream.indirect.gather [hbm4b:s2+s13], $0x1, s18, s13, $0xb8;
	[tilespmem:$0xC180] =	vst v63  }
0xdc: {  	s19 =	sadd.s32 $0x6180, s20;
	s22 =	sadd.s32 $0x1980, s21  }
0xdd: {  	[tilespmem:s19], [sflag:$0x1] =	stream.indirect.gather [hbm4b:s4+s13], $0x1, s22, s13, $0xb8;
	[tilespmem:$0xC180] =	vst v63  }
0xde: {  	s23 =	sadd.s32 $0x3200, s20;
	s24 =	sadd.s32 $0x1C0, s21  }
0xdf: {  	[tilespmem:s23], [sflag:$0x1] =	stream.indirect.gather [hbm4b:s2+s13], $0x1, s24, s13, $0xb8;
	[tilespmem:$0xC180] =	vst v63  }
0xe0: {  	s25 =	sadd.s32 $0x6200, s20;
	s26 =	sadd.s32 $0x19C0, s21  }
0xe1: {  	[tilespmem:s25], [sflag:$0x1] =	stream.indirect.gather [hbm4b:s4+s13], $0x1, s26, s13, $0xb8;
	[tilespmem:$0xC180] =	vst v63  }
0xe2: {  	s28 =	sadd.s32 $0x3280, s20;
	s29 =	sadd.s32 $0x200, s21  }
0xe3: {  	[tilespmem:s28], [sflag:$0x1] =	stream.indirect.gather [hbm4b:s2+s13], $0x1, s29, s13, $0xb8;
	[tilespmem:$0xC180] =	vst v63  }
0xe4: {  	s30 =	sadd.s32 $0x6280, s20;
	s31 =	sadd.s32 $0x1A00, s21  }
0xe5: {  	[tilespmem:s30], [sflag:$0x1] =	stream.indirect.gather [hbm4b:s4+s13], $0x1, s31, s13, $0xb8;
	[tilespmem:$0xC180] =	vst v63  }
0xe6: {  	s19 =	sadd.s32 $0x3300, s20;
	s22 =	sadd.s32 $0x240, s21  }
0xe7: {  	[tilespmem:s19], [sflag:$0x1] =	stream.indirect.gather [hbm4b:s2+s13], $0x1, s22, s13, $0xb8;
	[tilespmem:$0xC180] =	vst v63  }
0xe8: {  	s23 =	sadd.s32 $0x6300, s20;
	s24 =	sadd.s32 $0x1A40, s21  }
0xe9: {  	[tilespmem:s23], [sflag:$0x1] =	stream.indirect.gather [hbm4b:s4+s13], $0x1, s24, s13, $0xb8;
	[tilespmem:$0xC180] =	vst v63  }
0xea: {  	s25 =	sadd.s32 $0x3380, s20;
	s26 =	sadd.s32 $0x280, s21  }
0xeb: {  	[tilespmem:s25], [sflag:$0x1] =	stream.indirect.gather [hbm4b:s2+s13], $0x1, s26, s13, $0xb8;
	[tilespmem:$0xC180] =	vst v63  }
0xec: {  	s28 =	sadd.s32 $0x6380, s20;
	s29 =	sadd.s32 $0x1A80, s21  }
0xed: {  	[tilespmem:s28], [sflag:$0x1] =	stream.indirect.gather [hbm4b:s4+s13], $0x1, s29, s13, $0xb8;
	[tilespmem:$0xC180] =	vst v63  }
0xee: {  	s30 =	sadd.s32 $0x3400, s20;
	s31 =	sadd.s32 $0x2C0, s21  }
0xef: {  	[tilespmem:s30], [sflag:$0x1] =	stream.indirect.gather [hbm4b:s2+s13], $0x1, s31, s13, $0xb8;
	[tilespmem:$0xC180] =	vst v63  }
0xf0: {  	s19 =	sadd.s32 $0x6400, s20;
	s22 =	sadd.s32 $0x1AC0, s21  }
0xf1: {  	[tilespmem:s19], [sflag:$0x1] =	stream.indirect.gather [hbm4b:s4+s13], $0x1, s22, s13, $0xb8;
	[tilespmem:$0xC180] =	vst v63  }
0xf2: {  	s23 =	sadd.s32 $0x3480, s20;
	s24 =	sadd.s32 $0x300, s21  }
0xf3: {  	[tilespmem:s23], [sflag:$0x1] =	stream.indirect.gather [hbm4b:s2+s13], $0x1, s24, s13, $0xb8;
	[tilespmem:$0xC180] =	vst v63  }
0xf4: {  	s25 =	sadd.s32 $0x6480, s20;
	s26 =	sadd.s32 $0x1B00, s21  }
0xf5: {  	[tilespmem:s25], [sflag:$0x1] =	stream.indirect.gather [hbm4b:s4+s13], $0x1, s26, s13, $0xb8;
	[tilespmem:$0xC180] =	vst v63  }
0xf6: {  	s28 =	sadd.s32 $0x3500, s20;
	s29 =	sadd.s32 $0x340, s21  }
0xf7: {  	[tilespmem:s28], [sflag:$0x1] =	stream.indirect.gather [hbm4b:s2+s13], $0x1, s29, s13, $0xb8;
	[tilespmem:$0xC180] =	vst v63  }
0xf8: {  	s30 =	sadd.s32 $0x6500, s20;
	s31 =	sadd.s32 $0x1B40, s21  }
0xf9: {  	[tilespmem:s30], [sflag:$0x1] =	stream.indirect.gather [hbm4b:s4+s13], $0x1, s31, s13, $0xb8;
	[tilespmem:$0xC180] =	vst v63  }
0xfa: {  	_ =	swait.ge [sflag:s14], $0x40  }
0xfb: {  	[sflag:s14] =	ssyncset.done $0x0  }
0xfc: {  	[sflag:s14] =	ssyncadd.s32 $0xFFFFFFC0  }
0xfd: {  	_ =	swait.ge [sflag:s14], $0x40  }
0xfe: {  	[sflag:s14] =	ssyncset.done $0x0  }
0xff: {  	[sflag:s14] =	ssyncadd.s32 $0xFFFFFFC0  }
0x100: {  	_ =	swait.ge [sflag:s14], $0x40  }
0x101: {  	[sflag:s14] =	ssyncset.done $0x0  }
0x102: {  	[sflag:s14] =	ssyncadd.s32 $0xFFFFFFC0  }
0x103: {  	_ =	swait.ge [sflag:s14], $0x40  }
0x104: {  	[sflag:s14] =	ssyncset.done $0x0  }
0x105: {  	[sflag:s14] =	ssyncadd.s32 $0xFFFFFFC0  }
0x106: {  	_ =	swait.ge [sflag:s14], $0x40  }
0x107: {  	[sflag:s14] =	ssyncset.done $0x0  }
0x108: {  	[sflag:s14] =	ssyncadd.s32 $0xFFFFFFC0  }
0x109: {  	_ =	swait.ge [sflag:s14], $0x40  }
0x10a: {  	[sflag:s14] =	ssyncset.done $0x0  }
0x10b: {  	[sflag:s14] =	ssyncadd.s32 $0xFFFFFFC0  }
0x10c: {  	_ =	swait.ge [sflag:s14], $0x40  }
0x10d: {  	[sflag:s14] =	ssyncset.done $0x0  }
0x10e: {  	[sflag:s14] =	ssyncadd.s32 $0xFFFFFFC0  }
0x10f: {  	_ =	swait.ge [sflag:s14], $0x40  }
0x110: {  	[sflag:s14] =	ssyncset.done $0x0  }
0x111: {  	[sflag:s14] =	ssyncadd.s32 $0xFFFFFFC0  }
0x112: {  	_ =	swait.ge [sflag:s14], $0x40  }
0x113: {  	[sflag:s14] =	ssyncset.done $0x0  }
0x114: {  	[sflag:s14] =	ssyncadd.s32 $0xFFFFFFC0  }
0x115: {  	_ =	swait.ge [sflag:s14], $0x40  }
0x116: {  	[sflag:s14] =	ssyncset.done $0x0  }
0x117: {  	[sflag:s14] =	ssyncadd.s32 $0xFFFFFFC0  }
0x118: {  	_ =	swait.ge [sflag:s14], $0x40  }
0x119: {  	[sflag:s14] =	ssyncset.done $0x0  }
0x11a: {  	[sflag:s14] =	ssyncadd.s32 $0xFFFFFFC0  }
0x11b: {  	_ =	swait.ge [sflag:s14], $0x40  }
0x11c: {  	[sflag:s14] =	ssyncset.done $0x0  }
0x11d: {  	[sflag:s14] =	ssyncadd.s32 $0xFFFFFFC0  }
0x11e: {  	_ =	swait.ge [sflag:s14], $0x40  }
0x11f: {  	[sflag:s14] =	ssyncset.done $0x0  }
0x120: {  	[sflag:s14] =	ssyncadd.s32 $0xFFFFFFC0  }
0x121: {  	_ =	swait.ge [sflag:s14], $0x40  }
0x122: {  	[sflag:s14] =	ssyncset.done $0x0  }
0x123: {  	[sflag:s14] =	ssyncadd.s32 $0xFFFFFFC0  }
0x124: {  	_ =	swait.ge [sflag:s14], $0x40  }
0x125: {  	[sflag:s14] =	ssyncset.done $0x0  }
0x126: {  	[sflag:s14] =	ssyncadd.s32 $0xFFFFFFC0  }
0x127: {  	_ =	swait.ge [sflag:s14], $0x40  }
0x128: {  	[sflag:s14] =	ssyncset.done $0x0  }
0x129: {  	v0 =	vshrl.u32 v0, $0x7;
	s17 =	simm.s32 $0x0;
	[sflag:s14] =	ssyncadd.s32 $0xFFFFFFC0  }
0x12a: {  	v4 =	vcvt.s32.f32 v0;
	v0 =	vshrl.u32 v1, $0x7;
	v9 =	vld [tilespmem:s17+$0x31B0]  }
0x12b: {  	v1 =	vcvt.s32.f32 v0;
	v0 =	vshrl.u32 v2, $0x7;
	v2 =	vshrl.u32 v3, $0x7;
	v10 =	vld [tilespmem:s17+$0x61B0]  }
0x12c: {  	v6 =	vcvt.s32.f32 v2;
	v13 =	vld [tilespmem:s17+$0x3180]  }
0x12d: {  	v14 =	vld [tilespmem:s17+$0x6180]  }
0x12e: {  	v7 =	vsub.f32 $1.000000000e+00, v6;
	v11 =	vld [tilespmem:s17+$0x3190]  }
0x12f: {  	v0 =	vcvt.s32.f32 v0;
	v12 =	vld [tilespmem:s17+$0x6190]  }
0x130: {  	v5 =	vsub.f32 $1.000000000e+00, v4;
	v8 =	vld [tilespmem:s17+$0x31A0];
	v15 =	vmul.f32 v9, v7;
	v16 =	vmul.f32 v6, v10  }
0x131: {  	s18 =	simm.s32 $0x80;
	v3 =	vsub.f32 $1.000000000e+00, v1;
	v2 =	vsub.f32 $1.000000000e+00, v0;
	v10 =	vld [tilespmem:s17+$0x61A0]  }
0x132: {  	s19 =	simm.s32 $0x400;
	v13 =	vmul.f32 v13, v5;
	v9 =	vld [tilespmem:s18+$0x31B0];
	v14 =	vmul.f32 v4, v14;
	v15 =	vadd.f32 v16, v15  }
.LBB2_6:
0x133: {  	p0 =	sne.s32 s19, $0xBE00;
	v16 =	vld [tilespmem:s18+$0x61B0];
	v17 =	vmul.f32 v11, v3  }
0x134: {  	v18 =	vld [tilespmem:s18+$0x3180];
	v13 =	vadd.f32 v14, v13;
	v12 =	vmul.f32 v1, v12;
	[tilespmem:s17+$0x91B0] =	vst v15  }
0x135: {  	v14 =	vld [tilespmem:s18+$0x6180];
	v15 =	vmul.f32 v8, v2  }
.Ltmp3:
0x136: {  	v11 =	vld [tilespmem:s18+$0x3190];
	[tilespmem:s17+$0x9180] =	vst v13;
	v13 =	vadd.f32 v12, v17;
	v10 =	vmul.f32 v0, v10;
	(pc) =	sbr.rel @p0 .LBB2_6-.Ltmp3, $4  }
0x137: {  	v12 =	vld [tilespmem:s18+$0x6190]  }
0x138: {  	v17 =	vmul.f32 v9, v7;
	v8 =	vld [tilespmem:s18+$0x31A0];
	v16 =	vmul.f32 v6, v16;
	[tilespmem:s17+$0x9190] =	vst v13;
	v19 =	vadd.f32 v10, v15  }
0x139: {  	s20 =	sshra.s32 s19, $0x2;
	v13 =	vmul.f32 v18, v5;
	v10 =	vld [tilespmem:s18+$0x61A0]  }
0x13a: {  	s19 =	sadd.s32 $0x200, s19;
	v9 =	vld [tilespmem:s20+$0x31B0];
	v14 =	vmul.f32 v4, v14;
	v15 =	vadd.f32 v16, v17;
	[tilespmem:s17+$0x91A0] =	vst v19;
	s17 =	smov.u32 s18;
	s18 =	smov.u32 s20  }
0x13b: {  	v16 =	vld [tilespmem:s18+$0x61B0]  }
0x13c: {  	v17 =	vld [tilespmem:s18+$0x3180];
	v11 =	vmul.f32 v11, v3;
	[tilespmem:s17+$0x91B0] =	vst v15;
	v13 =	vadd.f32 v14, v13;
	v12 =	vmul.f32 v1, v12  }
0x13d: {  	v58 =	vld [tilespmem:s18+$0x6180]  }
0x13e: {  	v15 =	vld [tilespmem:s18+$0x3190];
	[tilespmem:s17+$0x9180] =	vst v13;
	v11 =	vadd.f32 v12, v11  }
0x13f: {  	v59 =	vld [tilespmem:s18+$0x6190]  }
0x140: {  	v13 =	vld [tilespmem:s18+$0x31A0];
	[tilespmem:s17+$0x9190] =	vst v11  }
0x141: {  	v11 =	vld [tilespmem:s18+$0x61A0]  }
0x142: {  	v8 =	vmul.f32 v8, v2;
	v10 =	vmul.f32 v0, v10  }
0x143: {  	v7 =	vmul.f32 v9, v7;
	v6 =	vmul.f32 v6, v16  }
0x144: {  	v8 =	vadd.f32 v10, v8;
	v5 =	vmul.f32 v17, v5;
	v4 =	vmul.f32 v4, v58  }
0x145: {  	v6 =	vadd.f32 v6, v7;
	v60 =	vmul.f32 v15, v3;
	v61 =	vmul.f32 v1, v59  }
0x146: {  	[tilespmem:s17+$0x91A0] =	vst v8;
	v4 =	vadd.f32 v4, v5;
	v62 =	vmul.f32 v13, v2;
	v63 =	vmul.f32 v0, v11  }
0x147: {  	[tilespmem:s18+$0x91B0] =	vst v6;
	v1 =	vadd.f32 v61, v60  }
0x148: {  	s16 =	sadd.s32 $0x1, s16;
	[tilespmem:s18+$0x9180] =	vst v4;
	v0 =	vadd.f32 v63, v62  }
0x149: {  	p0 =	sne.s32 s16, s9;
	[tilespmem:s18+$0x9190] =	vst v1  }
.Ltmp4:
0x14a: {  	[tilespmem:s18+$0x91A0] =	vst v0;
	(pc) =	sbr.rel @p0 .LBB2_1-.Ltmp4, $4  }
0x14b: {  	[hbm4b:s8+s3] =	stream.linear.scatter [tilespmem:s15], [sflag:$0x2], $0x3000, $0x38;
	[tilespmem:$0xC180] =	vst v63  }
0x14c: {  	_ =	swait.ge [sflag:s10], $0x3000  }
0x14d: {  	[sflag:s10] =	ssyncset.done $0x0  }
0x14e: {  	[sflag:s10] =	ssyncadd.s32 $0xFFFFD000  }
0x14f: {  	_ =	sfence.sel $0x180000  }
0x150: {  	[bflag:$0x0] =	sbarrier.arrive $0xFFFF  }
0x151: {  	p0 =	sne.s32 s1, $0x0;
	_ =	strace $0x90000047  }
0x152: {  	s0 =	sadd.s32 @!p0 $0x100000, s0;
	[bflag:$0x2] =	sbarrier.arrive $0xFFFF  }
0x153: {  	[sflag:s0] =	ssyncadd.tile.s32 @!p0 $0x1;
	_ =	shalt  }
.Lfunc_end2:
_tile_overlayer_lowered:
.L_overlay_start_2:
0x154: {  	(tag) =	ssettag $0x2  }
0x155: {  	s0 =	rddreg [dreg:$0x0];
	s2 =	stileid.u32  }
0x156: {  	s1 =	rddreg [dreg:$0x1];
	p0 =	sne.s32 s2, $0x0  }
0x157: {  	s3 =	rddreg [dreg:$0x2];
	[bflag:$0x3] =	sbarrier.arrive $0xFFFF;
	s2 =	simm.s32 @!p0 $0x1C02  }
0x158: {  	[timem:s3], [sflag:s2] =	dma.local @!p0 [hbm:s0], s1  }
0x159: {  	s0 =	simm.s32 @!p0 $0x2  }
0x15a: {  	_ =	swait.ge @!p0 [sflag:s0], s1  }
0x15b: {  	s1 =	ssub.s32 @!p0 $0x0, s1;
	[sflag:s0] =	ssyncset.done @!p0 $0x0  }
0x15c: {  	[sflag:s0] =	ssyncadd.s32 @!p0 s1  }
0x15d: {  	[bflag:$0x3] =	sbarrier.arrive $0xFFFF  }
0x15e: {  	_ =	shalt  }

</sc_bundles>
